<compile_context>
chip_gen: v7x
topology: tpu7x:2x2x1
jax: 0.10.2.dev20260603
libtpu: 0.0.44.dev20260713+nightly
codegen_flags: <defaults>
</compile_context>

<pallas_src>
import functools

import jax
import jax.numpy as jnp
from jax import lax
from jax.experimental import pallas as pl
from jax.experimental.pallas import tpu as pltpu
from jax.experimental.pallas import tpu_sc as plsc

_BATCH = 16384
_D = 128
_LANES = 16
_NW = 32
_BPW = _BATCH // _NW
_CH = 64
_NCH = _BPW // _CH

_mesh = plsc.VectorSubcoreMesh(core_axis_name="c", subcore_axis_name="s")


@functools.partial(
    pl.kernel,
    out_type=jax.ShapeDtypeStruct((_BATCH,), jnp.float32),
    mesh=_mesh,
    scratch_types=[
        pltpu.VMEM((_BPW,), jnp.int32),
        pltpu.VMEM((_BPW,), jnp.int32),
        pltpu.VMEM((3 * _CH, _D), jnp.float32),
        pltpu.VMEM((3 * _CH, _D), jnp.float32),
        pltpu.VMEM((_BPW,), jnp.float32),
        pltpu.VMEM((_BPW,), jnp.float32),
        pltpu.VMEM((_BPW,), jnp.float32),
        pltpu.VMEM((_LANES,), jnp.float32),
        pltpu.VMEM((_LANES * _LANES,), jnp.float32),
        pltpu.SemaphoreType.DMA((3,)),
        pltpu.SemaphoreType.DMA,
    ],
    compiler_params=pltpu.CompilerParams(needs_layout_passes=False),
)
def _svd_sc(uid_hbm, iid_hbm, ut_hbm, it_hbm, ub_hbm, ib_hbm, gb_hbm,
            out_hbm, idx_u, idx_i, u_rows, v_rows, outv, bu, bi, gv,
            prt, sems, sem_b):
    wid = lax.axis_index("s") * 2 + lax.axis_index("c")
    base = wid * _BPW

    iu0 = pltpu.make_async_copy(
        uid_hbm.at[pl.ds(base, _CH)], idx_u.at[pl.ds(0, _CH)], sem_b)
    ii0 = pltpu.make_async_copy(
        iid_hbm.at[pl.ds(base, _CH)], idx_i.at[pl.ds(0, _CH)], sem_b)
    iu0.start()
    ii0.start()
    iu1 = pltpu.make_async_copy(
        uid_hbm.at[pl.ds(base + _CH, _BPW - _CH)],
        idx_u.at[pl.ds(_CH, _BPW - _CH)], sem_b)
    ii1 = pltpu.make_async_copy(
        iid_hbm.at[pl.ds(base + _CH, _BPW - _CH)],
        idx_i.at[pl.ds(_CH, _BPW - _CH)], sem_b)
    gv_cp = pltpu.make_async_copy(gb_hbm, gv, sem_b)
    iu0.wait()
    ii0.wait()

    def chunk_copies(c, par):
        off = par * _CH
        u_cp = pltpu.make_async_copy(
            ut_hbm.at[idx_u.at[pl.ds(c * _CH, _CH)]],
            u_rows.at[pl.ds(off, _CH)], sems.at[par])
        v_cp = pltpu.make_async_copy(
            it_hbm.at[idx_i.at[pl.ds(c * _CH, _CH)]],
            v_rows.at[pl.ds(off, _CH)], sems.at[par])
        return u_cp, v_cp

    def start_chunk(c, par):
        u_cp, v_cp = chunk_copies(c, par)
        u_cp.start()
        v_cp.start()

    start_chunk(0, 0)

    iu1.start()
    ii1.start()
    gv_cp.start()
    iu1.wait()
    ii1.wait()

    start_chunk(1, 1)

    bu_cp = pltpu.make_async_copy(ub_hbm.at[idx_u], bu, sem_b)
    bi_cp = pltpu.make_async_copy(ib_hbm.at[idx_i], bi, sem_b)
    bu_cp.start()
    bi_cp.start()

    def chunk_body(c, _):
        par = lax.rem(c, 3)

        @pl.when(c + 2 < _NCH)
        def _():
            start_chunk(c + 2, lax.rem(c + 2, 3))

        u_cp, v_cp = chunk_copies(c, par)
        u_cp.wait()
        v_cp.wait()

        roff = par * _CH

        def group_body(g, _):
            for e in range(_LANES):
                i = roff + g * _LANES + e
                p = [u_rows[i, pl.ds(j * _LANES, _LANES)]
                     * v_rows[i, pl.ds(j * _LANES, _LANES)]
                     for j in range(_D // _LANES)]
                while len(p) > 1:
                    p = [p[k] + p[k + 1] for k in range(0, len(p), 2)]
                prt[pl.ds(e * _LANES, _LANES)] = p[0]
            rows = lax.iota(jnp.int32, _LANES) * _LANES
            gs = [plsc.load_gather(prt, [rows + l]) for l in range(_LANES)]
            while len(gs) > 1:
                gs = [gs[k] + gs[k + 1] for k in range(0, len(gs), 2)]
            outv[pl.ds(c * _CH + g * _LANES, _LANES)] = gs[0]
            return 0

        lax.fori_loop(0, _CH // _LANES, group_body, 0)
        return 0

    lax.fori_loop(0, _NCH, chunk_body, 0)

    gv_cp.wait()
    bu_cp.wait()
    bi_cp.wait()

    g = gv[...]

    def add_body(k, _):
        sl = pl.ds(k * _LANES, _LANES)
        outv[sl] = outv[sl] + bu[sl] + bi[sl] + g
        return 0

    lax.fori_loop(0, _BPW // _LANES, add_body, 0)

    pltpu.sync_copy(outv, out_hbm.at[pl.ds(base, _BPW)])


def kernel(user_ids, item_ids, user_table, item_table, user_bias,
           item_bias, global_bias):
    uid = user_ids.astype(jnp.int32)
    iid = item_ids.astype(jnp.int32)
    gb = jnp.full((_LANES,), global_bias, jnp.float32)
    return _svd_sc(uid, iid, user_table, item_table, user_bias, item_bias, gb)

# --- scband reference (transcript-rebuilt; emitter-appended) ---
"""Pipeline reference for scband-svd-model-49821620634215 (READ-ONLY COPY).

The authoritative reference and input builder live on the scoring server;
editing this copy changes nothing except your own understanding.
"""

import jax, jax.numpy as jnp
import numpy as np

USER_VOCAB = 100000
ITEM_VOCAB = 100000
EMBED_DIM = 128
BATCH = 16384
MIN_RATING = 1.0
MAX_RATING = 5.0


def setup_inputs(seed: int = 0) -> dict:
    key = jax.random.key(seed)
    k1, k2, k3, k4, k5, k6 = jax.random.split(key, 6)
    user_ids = jax.random.randint(k1, (BATCH,), 0, USER_VOCAB, dtype=jnp.int64 if jax.config.jax_enable_x64 else jnp.int32)
    item_ids = jax.random.randint(k2, (BATCH,), 0, ITEM_VOCAB, dtype=jnp.int64 if jax.config.jax_enable_x64 else jnp.int32)
    user_table = jax.random.normal(k3, (USER_VOCAB, EMBED_DIM), dtype=jnp.float32) * 0.05
    item_table = jax.random.normal(k4, (ITEM_VOCAB, EMBED_DIM), dtype=jnp.float32) * 0.05
    user_bias = jax.random.normal(k5, (USER_VOCAB,), dtype=jnp.float32) * 0.01
    item_bias = jax.random.normal(k6, (ITEM_VOCAB,), dtype=jnp.float32) * 0.01
    # global bias initialized per hk.initializers.Constant((max_rating - min_rating) / 2)
    global_bias = jnp.asarray((MAX_RATING - MIN_RATING) / 2.0, dtype=jnp.float32)
    return {
        "user_ids": user_ids,
        "item_ids": item_ids,
        "user_table": user_table,
        "item_table": item_table,
        "user_bias": user_bias,
        "item_bias": item_bias,
        "global_bias": global_bias,
    }


def reference(user_ids, item_ids, user_table, item_table, user_bias, item_bias, global_bias):
    # SVD matrix-factorization forward: embed user and item, dot-product
    # latent factors, add per-user bias, per-item bias and global bias.
    u = jnp.take(user_table, user_ids, axis=0)          # [B, D] gather
    v = jnp.take(item_table, item_ids, axis=0)          # [B, D] gather
    interaction = jnp.sum(u * v, axis=-1)               # [B]
    b_u = jnp.take(user_bias, user_ids, axis=0)         # [B] gather
    b_i = jnp.take(item_bias, item_ids, axis=0)         # [B] gather
    pred = interaction + b_u + b_i + global_bias        # [B]
    return pred

if __name__ == "__main__":
    import jax
    _d = setup_inputs()
    print(jax.jit(kernel)(*tuple(_d.values())))

</pallas_src>

<mosaic_0001>
#map = affine_map<(d0, d1) -> (0)>
#map1 = affine_map<(d0, d1) -> (0, 0)>
module attributes {stable_mosaic.version = 14 : i64} {
  func.func @_svd_sc(%arg0: i32, %arg1: i32, %arg2: memref<16384xi32, #tpu.memory_space<hbm>>, %arg3: memref<16384xi32, #tpu.memory_space<hbm>>, %arg4: memref<100000x128xf32, #tpu.memory_space<hbm>>, %arg5: memref<100000x128xf32, #tpu.memory_space<hbm>>, %arg6: memref<100000xf32, #tpu.memory_space<hbm>>, %arg7: memref<100000xf32, #tpu.memory_space<hbm>>, %arg8: memref<16xf32, #tpu.memory_space<hbm>>, %arg9: memref<16384xf32, #tpu.memory_space<hbm>>, %arg10: memref<512xi32, #tpu.memory_space<vmem>>, %arg11: memref<512xi32, #tpu.memory_space<vmem>>, %arg12: memref<192x128xf32, #tpu.memory_space<vmem>>, %arg13: memref<192x128xf32, #tpu.memory_space<vmem>>, %arg14: memref<512xf32, #tpu.memory_space<vmem>>, %arg15: memref<512xf32, #tpu.memory_space<vmem>>, %arg16: memref<512xf32, #tpu.memory_space<vmem>>, %arg17: memref<16xf32, #tpu.memory_space<vmem>>, %arg18: memref<256xf32, #tpu.memory_space<vmem>>, %arg19: memref<3x!tpu.dma_semaphore, #tpu.memory_space<semaphore_mem>>, %arg20: memref<!tpu.dma_semaphore, #tpu.memory_space<semaphore_mem>>) attributes {dimension_semantics = [#tpu.dimension_semantics<core_parallel>, #tpu.dimension_semantics<subcore_parallel>], iteration_bounds = array<i64: 2, 16>, scalar_prefetch = 0 : i64, scratch_operands = 11 : i64, tpu.core_type = #tpu.core_type<sc_vector_subcore>, window_params = [{transform_indices = #map}, {transform_indices = #map}, {transform_indices = #map1}, {transform_indices = #map1}, {transform_indices = #map}, {transform_indices = #map}, {transform_indices = #map}, {transform_indices = #map}]} {
    %mul3A = arith.constant 2 : i32
    %mul3A_0 = arith.muli %arg1, %mul3A : i32
    %add3A = arith.addi %mul3A_0, %arg0 : i32
    %mul3A_1 = arith.constant 512 : i32
    %mul3A_2 = arith.muli %add3A, %mul3A_1 : i32
    %dma_start3A = arith.constant 0 : i32
    %dma_start3A_3 = tpu.memref_slice %arg10[%dma_start3A] : memref<512xi32, #tpu.memory_space<vmem>> -> memref<64xi32, #tpu.memory_space<vmem>>
    %dma_start3A_4 = tpu.memref_slice %arg2[%mul3A_2] : memref<16384xi32, #tpu.memory_space<hbm>> -> memref<64xi32, #tpu.memory_space<hbm>>
    %dma_start3A_5 = arith.constant 0 : i32
    %dma_start3A_6 = tpu.memref_slice %arg10[%dma_start3A_5] : memref<512xi32, #tpu.memory_space<vmem>> -> memref<64xi32, #tpu.memory_space<vmem>>
    %dma_start3A_7 = tpu.memref_slice %arg2[%mul3A_2] : memref<16384xi32, #tpu.memory_space<hbm>> -> memref<64xi32, #tpu.memory_space<hbm>>
    tpu.enqueue_dma source(%dma_start3A_7 : memref<64xi32, #tpu.memory_space<hbm>>) target(%dma_start3A_6 : memref<64xi32, #tpu.memory_space<vmem>>) target_semaphore(%arg20 : memref<!tpu.dma_semaphore, #tpu.memory_space<semaphore_mem>>)
    %dma_start3A_8 = arith.constant 0 : i32
    %dma_start3A_9 = tpu.memref_slice %arg11[%dma_start3A_8] : memref<512xi32, #tpu.memory_space<vmem>> -> memref<64xi32, #tpu.memory_space<vmem>>
    %dma_start3A_10 = tpu.memref_slice %arg3[%mul3A_2] : memref<16384xi32, #tpu.memory_space<hbm>> -> memref<64xi32, #tpu.memory_space<hbm>>
    %dma_start3A_11 = arith.constant 0 : i32
    %dma_start3A_12 = tpu.memref_slice %arg11[%dma_start3A_11] : memref<512xi32, #tpu.memory_space<vmem>> -> memref<64xi32, #tpu.memory_space<vmem>>
    %dma_start3A_13 = tpu.memref_slice %arg3[%mul3A_2] : memref<16384xi32, #tpu.memory_space<hbm>> -> memref<64xi32, #tpu.memory_space<hbm>>
    tpu.enqueue_dma source(%dma_start3A_13 : memref<64xi32, #tpu.memory_space<hbm>>) target(%dma_start3A_12 : memref<64xi32, #tpu.memory_space<vmem>>) target_semaphore(%arg20 : memref<!tpu.dma_semaphore, #tpu.memory_space<semaphore_mem>>)
    %add3A_14 = arith.constant 64 : i32
    %add3A_15 = arith.addi %mul3A_2, %add3A_14 : i32
    %add3A_16 = arith.constant 64 : i32
    %add3A_17 = arith.addi %mul3A_2, %add3A_16 : i32
    %dma_wait3A = arith.constant 0 : i32
    %dma_wait3A_18 = tpu.memref_slice %arg10[%dma_wait3A] : memref<512xi32, #tpu.memory_space<vmem>> -> memref<64xi32, #tpu.memory_space<vmem>>
    %dma_wait3A_19 = tpu.memref_slice %arg2[%mul3A_2] : memref<16384xi32, #tpu.memory_space<hbm>> -> memref<64xi32, #tpu.memory_space<hbm>>
    %dma_wait3A_20 = arith.constant 0 : i32
    %dma_wait3A_21 = tpu.memref_slice %arg10[%dma_wait3A_20] : memref<512xi32, #tpu.memory_space<vmem>> -> memref<64xi32, #tpu.memory_space<vmem>>
    %dma_wait3A_22 = tpu.memref_slice %arg2[%mul3A_2] : memref<16384xi32, #tpu.memory_space<hbm>> -> memref<64xi32, #tpu.memory_space<hbm>>
    tpu.wait_dma2 semaphore(%arg20 : memref<!tpu.dma_semaphore, #tpu.memory_space<semaphore_mem>>) src(%dma_wait3A_22 : memref<64xi32, #tpu.memory_space<hbm>>) dst(%dma_wait3A_21 : memref<64xi32, #tpu.memory_space<vmem>>)
    %dma_wait3A_23 = arith.constant 0 : i32
    %dma_wait3A_24 = tpu.memref_slice %arg11[%dma_wait3A_23] : memref<512xi32, #tpu.memory_space<vmem>> -> memref<64xi32, #tpu.memory_space<vmem>>
    %dma_wait3A_25 = tpu.memref_slice %arg3[%mul3A_2] : memref<16384xi32, #tpu.memory_space<hbm>> -> memref<64xi32, #tpu.memory_space<hbm>>
    %dma_wait3A_26 = arith.constant 0 : i32
    %dma_wait3A_27 = tpu.memref_slice %arg11[%dma_wait3A_26] : memref<512xi32, #tpu.memory_space<vmem>> -> memref<64xi32, #tpu.memory_space<vmem>>
    %dma_wait3A_28 = tpu.memref_slice %arg3[%mul3A_2] : memref<16384xi32, #tpu.memory_space<hbm>> -> memref<64xi32, #tpu.memory_space<hbm>>
    tpu.wait_dma2 semaphore(%arg20 : memref<!tpu.dma_semaphore, #tpu.memory_space<semaphore_mem>>) src(%dma_wait3A_28 : memref<64xi32, #tpu.memory_space<hbm>>) dst(%dma_wait3A_27 : memref<64xi32, #tpu.memory_space<vmem>>)
    %dma_start3A_29 = arith.constant 0 : i32
    %dma_start3A_30 = arith.constant 0 : i32
    %dma_start3A_31 = arith.constant 0 : i32
    %dma_start3A_32 = tpu.memref_slice %arg12[%dma_start3A_30, %dma_start3A_31] : memref<192x128xf32, #tpu.memory_space<vmem>> -> memref<64x128xf32, #tpu.memory_space<vmem>>
    %dma_start3A_33 = arith.constant 0 : i32
    %dma_start3A_34 = tpu.memref_slice %arg10[%dma_start3A_33] : memref<512xi32, #tpu.memory_space<vmem>> -> memref<64xi32, #tpu.memory_space<vmem>>
    %dma_start3A_35 = arith.constant 0 : i32
    %dma_start3A_36 = arith.constant 0 : i32
    %dma_start3A_37 = tpu.memref_slice %arg4[%dma_start3A_35, %dma_start3A_36] : memref<100000x128xf32, #tpu.memory_space<hbm>> -> memref<100000x128xf32, #tpu.memory_space<hbm>>
    %dma_start3A_38 = tpu.memref_slice %arg19[%dma_start3A_29] : memref<3x!tpu.dma_semaphore, #tpu.memory_space<semaphore_mem>> -> memref<1x!tpu.dma_semaphore, #tpu.memory_space<semaphore_mem>>
    %dma_start3A_39 = tpu.memref_squeeze %dma_start3A_38 : memref<1x!tpu.dma_semaphore, #tpu.memory_space<semaphore_mem>> -> memref<!tpu.dma_semaphore, #tpu.memory_space<semaphore_mem>>
    tpu.enqueue_indirect_dma source(%dma_start3A_37 : memref<100000x128xf32, #tpu.memory_space<hbm>>) target(%dma_start3A_32 : memref<64x128xf32, #tpu.memory_space<vmem>>) offsets(%dma_start3A_34 : memref<64xi32, #tpu.memory_space<vmem>>) semaphore(%dma_start3A_39 : memref<!tpu.dma_semaphore, #tpu.memory_space<semaphore_mem>>)
    %dma_start3A_40 = arith.constant 0 : i32
    %dma_start3A_41 = arith.constant 0 : i32
    %dma_start3A_42 = arith.constant 0 : i32
    %dma_start3A_43 = tpu.memref_slice %arg13[%dma_start3A_41, %dma_start3A_42] : memref<192x128xf32, #tpu.memory_space<vmem>> -> memref<64x128xf32, #tpu.memory_space<vmem>>
    %dma_start3A_44 = arith.constant 0 : i32
    %dma_start3A_45 = tpu.memref_slice %arg11[%dma_start3A_44] : memref<512xi32, #tpu.memory_space<vmem>> -> memref<64xi32, #tpu.memory_space<vmem>>
    %dma_start3A_46 = arith.constant 0 : i32
    %dma_start3A_47 = arith.constant 0 : i32
    %dma_start3A_48 = tpu.memref_slice %arg5[%dma_start3A_46, %dma_start3A_47] : memref<100000x128xf32, #tpu.memory_space<hbm>> -> memref<100000x128xf32, #tpu.memory_space<hbm>>
    %dma_start3A_49 = tpu.memref_slice %arg19[%dma_start3A_40] : memref<3x!tpu.dma_semaphore, #tpu.memory_space<semaphore_mem>> -> memref<1x!tpu.dma_semaphore, #tpu.memory_space<semaphore_mem>>
    %dma_start3A_50 = tpu.memref_squeeze %dma_start3A_49 : memref<1x!tpu.dma_semaphore, #tpu.memory_space<semaphore_mem>> -> memref<!tpu.dma_semaphore, #tpu.memory_space<semaphore_mem>>
    tpu.enqueue_indirect_dma source(%dma_start3A_48 : memref<100000x128xf32, #tpu.memory_space<hbm>>) target(%dma_start3A_43 : memref<64x128xf32, #tpu.memory_space<vmem>>) offsets(%dma_start3A_45 : memref<64xi32, #tpu.memory_space<vmem>>) semaphore(%dma_start3A_50 : memref<!tpu.dma_semaphore, #tpu.memory_space<semaphore_mem>>)
    %dma_start3A_51 = arith.constant 64 : i32
    %dma_start3A_52 = tpu.memref_slice %arg10[%dma_start3A_51] : memref<512xi32, #tpu.memory_space<vmem>> -> memref<448xi32, #tpu.memory_space<vmem>>
    %dma_start3A_53 = tpu.memref_slice %arg2[%add3A_15] : memref<16384xi32, #tpu.memory_space<hbm>> -> memref<448xi32, #tpu.memory_space<hbm>>
    %dma_start3A_54 = arith.constant 64 : i32
    %dma_start3A_55 = tpu.memref_slice %arg10[%dma_start3A_54] : memref<512xi32, #tpu.memory_space<vmem>> -> memref<448xi32, #tpu.memory_space<vmem>>
    %dma_start3A_56 = tpu.memref_slice %arg2[%add3A_15] : memref<16384xi32, #tpu.memory_space<hbm>> -> memref<448xi32, #tpu.memory_space<hbm>>
    tpu.enqueue_dma source(%dma_start3A_56 : memref<448xi32, #tpu.memory_space<hbm>>) target(%dma_start3A_55 : memref<448xi32, #tpu.memory_space<vmem>>) target_semaphore(%arg20 : memref<!tpu.dma_semaphore, #tpu.memory_space<semaphore_mem>>)
    %dma_start3A_57 = arith.constant 64 : i32
    %dma_start3A_58 = tpu.memref_slice %arg11[%dma_start3A_57] : memref<512xi32, #tpu.memory_space<vmem>> -> memref<448xi32, #tpu.memory_space<vmem>>
    %dma_start3A_59 = tpu.memref_slice %arg3[%add3A_17] : memref<16384xi32, #tpu.memory_space<hbm>> -> memref<448xi32, #tpu.memory_space<hbm>>
    %dma_start3A_60 = arith.constant 64 : i32
    %dma_start3A_61 = tpu.memref_slice %arg11[%dma_start3A_60] : memref<512xi32, #tpu.memory_space<vmem>> -> memref<448xi32, #tpu.memory_space<vmem>>
    %dma_start3A_62 = tpu.memref_slice %arg3[%add3A_17] : memref<16384xi32, #tpu.memory_space<hbm>> -> memref<448xi32, #tpu.memory_space<hbm>>
    tpu.enqueue_dma source(%dma_start3A_62 : memref<448xi32, #tpu.memory_space<hbm>>) target(%dma_start3A_61 : memref<448xi32, #tpu.memory_space<vmem>>) target_semaphore(%arg20 : memref<!tpu.dma_semaphore, #tpu.memory_space<semaphore_mem>>)
    tpu.enqueue_dma source(%arg8 : memref<16xf32, #tpu.memory_space<hbm>>) target(%arg17 : memref<16xf32, #tpu.memory_space<vmem>>) target_semaphore(%arg20 : memref<!tpu.dma_semaphore, #tpu.memory_space<semaphore_mem>>)
    %dma_wait3A_63 = arith.constant 64 : i32
    %dma_wait3A_64 = tpu.memref_slice %arg10[%dma_wait3A_63] : memref<512xi32, #tpu.memory_space<vmem>> -> memref<448xi32, #tpu.memory_space<vmem>>
    %dma_wait3A_65 = tpu.memref_slice %arg2[%add3A_15] : memref<16384xi32, #tpu.memory_space<hbm>> -> memref<448xi32, #tpu.memory_space<hbm>>
    %dma_wait3A_66 = arith.constant 64 : i32
    %dma_wait3A_67 = tpu.memref_slice %arg10[%dma_wait3A_66] : memref<512xi32, #tpu.memory_space<vmem>> -> memref<448xi32, #tpu.memory_space<vmem>>
    %dma_wait3A_68 = tpu.memref_slice %arg2[%add3A_15] : memref<16384xi32, #tpu.memory_space<hbm>> -> memref<448xi32, #tpu.memory_space<hbm>>
    tpu.wait_dma2 semaphore(%arg20 : memref<!tpu.dma_semaphore, #tpu.memory_space<semaphore_mem>>) src(%dma_wait3A_68 : memref<448xi32, #tpu.memory_space<hbm>>) dst(%dma_wait3A_67 : memref<448xi32, #tpu.memory_space<vmem>>)
    %dma_wait3A_69 = arith.constant 64 : i32
    %dma_wait3A_70 = tpu.memref_slice %arg11[%dma_wait3A_69] : memref<512xi32, #tpu.memory_space<vmem>> -> memref<448xi32, #tpu.memory_space<vmem>>
    %dma_wait3A_71 = tpu.memref_slice %arg3[%add3A_17] : memref<16384xi32, #tpu.memory_space<hbm>> -> memref<448xi32, #tpu.memory_space<hbm>>
    %dma_wait3A_72 = arith.constant 64 : i32
    %dma_wait3A_73 = tpu.memref_slice %arg11[%dma_wait3A_72] : memref<512xi32, #tpu.memory_space<vmem>> -> memref<448xi32, #tpu.memory_space<vmem>>
    %dma_wait3A_74 = tpu.memref_slice %arg3[%add3A_17] : memref<16384xi32, #tpu.memory_space<hbm>> -> memref<448xi32, #tpu.memory_space<hbm>>
    tpu.wait_dma2 semaphore(%arg20 : memref<!tpu.dma_semaphore, #tpu.memory_space<semaphore_mem>>) src(%dma_wait3A_74 : memref<448xi32, #tpu.memory_space<hbm>>) dst(%dma_wait3A_73 : memref<448xi32, #tpu.memory_space<vmem>>)
    %dma_start3A_75 = arith.constant 1 : i32
    %dma_start3A_76 = arith.constant 64 : i32
    %dma_start3A_77 = arith.constant 0 : i32
    %dma_start3A_78 = tpu.memref_slice %arg12[%dma_start3A_76, %dma_start3A_77] : memref<192x128xf32, #tpu.memory_space<vmem>> -> memref<64x128xf32, #tpu.memory_space<vmem>>
    %dma_start3A_79 = arith.constant 64 : i32
    %dma_start3A_80 = tpu.memref_slice %arg10[%dma_start3A_79] : memref<512xi32, #tpu.memory_space<vmem>> -> memref<64xi32, #tpu.memory_space<vmem>>
    %dma_start3A_81 = arith.constant 0 : i32
    %dma_start3A_82 = arith.constant 0 : i32
    %dma_start3A_83 = tpu.memref_slice %arg4[%dma_start3A_81, %dma_start3A_82] : memref<100000x128xf32, #tpu.memory_space<hbm>> -> memref<100000x128xf32, #tpu.memory_space<hbm>>
    %dma_start3A_84 = tpu.memref_slice %arg19[%dma_start3A_75] : memref<3x!tpu.dma_semaphore, #tpu.memory_space<semaphore_mem>> -> memref<1x!tpu.dma_semaphore, #tpu.memory_space<semaphore_mem>>
    %dma_start3A_85 = tpu.memref_squeeze %dma_start3A_84 : memref<1x!tpu.dma_semaphore, #tpu.memory_space<semaphore_mem>> -> memref<!tpu.dma_semaphore, #tpu.memory_space<semaphore_mem>>
    tpu.enqueue_indirect_dma source(%dma_start3A_83 : memref<100000x128xf32, #tpu.memory_space<hbm>>) target(%dma_start3A_78 : memref<64x128xf32, #tpu.memory_space<vmem>>) offsets(%dma_start3A_80 : memref<64xi32, #tpu.memory_space<vmem>>) semaphore(%dma_start3A_85 : memref<!tpu.dma_semaphore, #tpu.memory_space<semaphore_mem>>)
    %dma_start3A_86 = arith.constant 1 : i32
    %dma_start3A_87 = arith.constant 64 : i32
    %dma_start3A_88 = arith.constant 0 : i32
    %dma_start3A_89 = tpu.memref_slice %arg13[%dma_start3A_87, %dma_start3A_88] : memref<192x128xf32, #tpu.memory_space<vmem>> -> memref<64x128xf32, #tpu.memory_space<vmem>>
    %dma_start3A_90 = arith.constant 64 : i32
    %dma_start3A_91 = tpu.memref_slice %arg11[%dma_start3A_90] : memref<512xi32, #tpu.memory_space<vmem>> -> memref<64xi32, #tpu.memory_space<vmem>>
    %dma_start3A_92 = arith.constant 0 : i32
    %dma_start3A_93 = arith.constant 0 : i32
    %dma_start3A_94 = tpu.memref_slice %arg5[%dma_start3A_92, %dma_start3A_93] : memref<100000x128xf32, #tpu.memory_space<hbm>> -> memref<100000x128xf32, #tpu.memory_space<hbm>>
    %dma_start3A_95 = tpu.memref_slice %arg19[%dma_start3A_86] : memref<3x!tpu.dma_semaphore, #tpu.memory_space<semaphore_mem>> -> memref<1x!tpu.dma_semaphore, #tpu.memory_space<semaphore_mem>>
    %dma_start3A_96 = tpu.memref_squeeze %dma_start3A_95 : memref<1x!tpu.dma_semaphore, #tpu.memory_space<semaphore_mem>> -> memref<!tpu.dma_semaphore, #tpu.memory_space<semaphore_mem>>
    tpu.enqueue_indirect_dma source(%dma_start3A_94 : memref<100000x128xf32, #tpu.memory_space<hbm>>) target(%dma_start3A_89 : memref<64x128xf32, #tpu.memory_space<vmem>>) offsets(%dma_start3A_91 : memref<64xi32, #tpu.memory_space<vmem>>) semaphore(%dma_start3A_96 : memref<!tpu.dma_semaphore, #tpu.memory_space<semaphore_mem>>)
    %dma_start3A_97 = arith.constant 0 : i32
    %dma_start3A_98 = tpu.memref_slice %arg6[%dma_start3A_97] : memref<100000xf32, #tpu.memory_space<hbm>> -> memref<100000xf32, #tpu.memory_space<hbm>>
    tpu.enqueue_indirect_dma source(%dma_start3A_98 : memref<100000xf32, #tpu.memory_space<hbm>>) target(%arg15 : memref<512xf32, #tpu.memory_space<vmem>>) offsets(%arg10 : memref<512xi32, #tpu.memory_space<vmem>>) semaphore(%arg20 : memref<!tpu.dma_semaphore, #tpu.memory_space<semaphore_mem>>)
    %dma_start3A_99 = arith.constant 0 : i32
    %dma_start3A_100 = tpu.memref_slice %arg7[%dma_start3A_99] : memref<100000xf32, #tpu.memory_space<hbm>> -> memref<100000xf32, #tpu.memory_space<hbm>>
    tpu.enqueue_indirect_dma source(%dma_start3A_100 : memref<100000xf32, #tpu.memory_space<hbm>>) target(%arg16 : memref<512xf32, #tpu.memory_space<vmem>>) offsets(%arg11 : memref<512xi32, #tpu.memory_space<vmem>>) semaphore(%arg20 : memref<!tpu.dma_semaphore, #tpu.memory_space<semaphore_mem>>)
    %scan3A = arith.constant 0 : i32
    %scan3A_101 = arith.constant 0 : i32
    %scan3A_102 = arith.constant 8 : i32
    %scan3A_103 = arith.addi %scan3A_101, %scan3A_102 : i32
    %scan3A_104 = arith.constant 1 : i32
    %scan3A_105 = scf.for %scan3A_119 = %scan3A_101 to %scan3A_103 step %scan3A_104 iter_args(%scan3A_120 = %scan3A) -> (i32)  : i32 {
      %rem3A = arith.constant 3 : i32
      %rem3A_121 = arith.remsi %scan3A_119, %rem3A : i32
      %add3A_122 = arith.constant 2 : i32
      %add3A_123 = arith.addi %scan3A_119, %add3A_122 : i32
      %lt3A = arith.constant 8 : i32
      %lt3A_124 = arith.cmpi slt, %add3A_123, %lt3A : i32
      %convert_element_type3A = arith.extui %lt3A_124 : i1 to i32
      %cond3A = arith.constant 0 : i32
      %cond3A_125 = arith.cmpi ne, %convert_element_type3A, %cond3A : i32
      scf.if %cond3A_125 {
        %add3A_158 = arith.constant 2 : i32
        %add3A_159 = arith.addi %scan3A_119, %add3A_158 : i32
        %add3A_160 = arith.constant 2 : i32
        %add3A_161 = arith.addi %scan3A_119, %add3A_160 : i32
        %rem3A_162 = arith.constant 3 : i32
        %rem3A_163 = arith.remsi %add3A_161, %rem3A_162 : i32
        %mul3A_164 = arith.constant 64 : i32
        %mul3A_165 = arith.muli %rem3A_163, %mul3A_164 : i32
        %mul3A_166 = arith.constant 64 : i32
        %mul3A_167 = arith.muli %add3A_159, %mul3A_166 : i32
        %mul3A_168 = arith.constant 64 : i32
        %mul3A_169 = arith.muli %add3A_159, %mul3A_168 : i32
        %dma_start3A_170 = arith.constant 0 : i32
        %dma_start3A_171 = tpu.memref_slice %arg12[%mul3A_165, %dma_start3A_170] : memref<192x128xf32, #tpu.memory_space<vmem>> -> memref<64x128xf32, #tpu.memory_space<vmem>>
        %dma_start3A_172 = tpu.memref_slice %arg10[%mul3A_167] : memref<512xi32, #tpu.memory_space<vmem>> -> memref<64xi32, #tpu.memory_space<vmem>>
        %dma_start3A_173 = arith.constant 0 : i32
        %dma_start3A_174 = arith.constant 0 : i32
        %dma_start3A_175 = tpu.memref_slice %arg4[%dma_start3A_173, %dma_start3A_174] : memref<100000x128xf32, #tpu.memory_space<hbm>> -> memref<100000x128xf32, #tpu.memory_space<hbm>>
        %dma_start3A_176 = tpu.memref_slice %arg19[%rem3A_163] : memref<3x!tpu.dma_semaphore, #tpu.memory_space<semaphore_mem>> -> memref<1x!tpu.dma_semaphore, #tpu.memory_space<semaphore_mem>>
        %dma_start3A_177 = tpu.memref_squeeze %dma_start3A_176 : memref<1x!tpu.dma_semaphore, #tpu.memory_space<semaphore_mem>> -> memref<!tpu.dma_semaphore, #tpu.memory_space<semaphore_mem>>
        tpu.enqueue_indirect_dma source(%dma_start3A_175 : memref<100000x128xf32, #tpu.memory_space<hbm>>) target(%dma_start3A_171 : memref<64x128xf32, #tpu.memory_space<vmem>>) offsets(%dma_start3A_172 : memref<64xi32, #tpu.memory_space<vmem>>) semaphore(%dma_start3A_177 : memref<!tpu.dma_semaphore, #tpu.memory_space<semaphore_mem>>)
        %dma_start3A_178 = arith.constant 0 : i32
        %dma_start3A_179 = tpu.memref_slice %arg13[%mul3A_165, %dma_start3A_178] : memref<192x128xf32, #tpu.memory_space<vmem>> -> memref<64x128xf32, #tpu.memory_space<vmem>>
        %dma_start3A_180 = tpu.memref_slice %arg11[%mul3A_169] : memref<512xi32, #tpu.memory_space<vmem>> -> memref<64xi32, #tpu.memory_space<vmem>>
        %dma_start3A_181 = arith.constant 0 : i32
        %dma_start3A_182 = arith.constant 0 : i32
        %dma_start3A_183 = tpu.memref_slice %arg5[%dma_start3A_181, %dma_start3A_182] : memref<100000x128xf32, #tpu.memory_space<hbm>> -> memref<100000x128xf32, #tpu.memory_space<hbm>>
        %dma_start3A_184 = tpu.memref_slice %arg19[%rem3A_163] : memref<3x!tpu.dma_semaphore, #tpu.memory_space<semaphore_mem>> -> memref<1x!tpu.dma_semaphore, #tpu.memory_space<semaphore_mem>>
        %dma_start3A_185 = tpu.memref_squeeze %dma_start3A_184 : memref<1x!tpu.dma_semaphore, #tpu.memory_space<semaphore_mem>> -> memref<!tpu.dma_semaphore, #tpu.memory_space<semaphore_mem>>
        tpu.enqueue_indirect_dma source(%dma_start3A_183 : memref<100000x128xf32, #tpu.memory_space<hbm>>) target(%dma_start3A_179 : memref<64x128xf32, #tpu.memory_space<vmem>>) offsets(%dma_start3A_180 : memref<64xi32, #tpu.memory_space<vmem>>) semaphore(%dma_start3A_185 : memref<!tpu.dma_semaphore, #tpu.memory_space<semaphore_mem>>)
      } else {
      }
      %mul3A_126 = arith.constant 64 : i32
      %mul3A_127 = arith.muli %rem3A_121, %mul3A_126 : i32
      %mul3A_128 = arith.constant 64 : i32
      %mul3A_129 = arith.muli %scan3A_119, %mul3A_128 : i32
      %mul3A_130 = arith.constant 64 : i32
      %mul3A_131 = arith.muli %scan3A_119, %mul3A_130 : i32
      %dma_wait3A_132 = arith.constant 0 : i32
      %dma_wait3A_133 = tpu.memref_slice %arg12[%mul3A_127, %dma_wait3A_132] : memref<192x128xf32, #tpu.memory_space<vmem>> -> memref<64x128xf32, #tpu.memory_space<vmem>>
      %dma_wait3A_134 = tpu.memref_slice %arg10[%mul3A_129] : memref<512xi32, #tpu.memory_space<vmem>> -> memref<64xi32, #tpu.memory_space<vmem>>
      %dma_wait3A_135 = arith.constant 0 : i32
      %dma_wait3A_136 = arith.constant 0 : i32
      %dma_wait3A_137 = tpu.memref_slice %arg4[%dma_wait3A_135, %dma_wait3A_136] : memref<100000x128xf32, #tpu.memory_space<hbm>> -> memref<100000x128xf32, #tpu.memory_space<hbm>>
      %dma_wait3A_138 = tpu.memref_slice %arg19[%rem3A_121] : memref<3x!tpu.dma_semaphore, #tpu.memory_space<semaphore_mem>> -> memref<1x!tpu.dma_semaphore, #tpu.memory_space<semaphore_mem>>
      %dma_wait3A_139 = tpu.memref_squeeze %dma_wait3A_138 : memref<1x!tpu.dma_semaphore, #tpu.memory_space<semaphore_mem>> -> memref<!tpu.dma_semaphore, #tpu.memory_space<semaphore_mem>>
      tpu.wait_indirect_dma semaphore(%dma_wait3A_139 : memref<!tpu.dma_semaphore, #tpu.memory_space<semaphore_mem>>) src(%dma_wait3A_137 : memref<100000x128xf32, #tpu.memory_space<hbm>>) dst(%dma_wait3A_133 : memref<64x128xf32, #tpu.memory_space<vmem>>)
      %dma_wait3A_140 = arith.constant 0 : i32
      %dma_wait3A_141 = tpu.memref_slice %arg13[%mul3A_127, %dma_wait3A_140] : memref<192x128xf32, #tpu.memory_space<vmem>> -> memref<64x128xf32, #tpu.memory_space<vmem>>
      %dma_wait3A_142 = tpu.memref_slice %arg11[%mul3A_131] : memref<512xi32, #tpu.memory_space<vmem>> -> memref<64xi32, #tpu.memory_space<vmem>>
      %dma_wait3A_143 = arith.constant 0 : i32
      %dma_wait3A_144 = arith.constant 0 : i32
      %dma_wait3A_145 = tpu.memref_slice %arg5[%dma_wait3A_143, %dma_wait3A_144] : memref<100000x128xf32, #tpu.memory_space<hbm>> -> memref<100000x128xf32, #tpu.memory_space<hbm>>
      %dma_wait3A_146 = tpu.memref_slice %arg19[%rem3A_121] : memref<3x!tpu.dma_semaphore, #tpu.memory_space<semaphore_mem>> -> memref<1x!tpu.dma_semaphore, #tpu.memory_space<semaphore_mem>>
      %dma_wait3A_147 = tpu.memref_squeeze %dma_wait3A_146 : memref<1x!tpu.dma_semaphore, #tpu.memory_space<semaphore_mem>> -> memref<!tpu.dma_semaphore, #tpu.memory_space<semaphore_mem>>
      tpu.wait_indirect_dma semaphore(%dma_wait3A_147 : memref<!tpu.dma_semaphore, #tpu.memory_space<semaphore_mem>>) src(%dma_wait3A_145 : memref<100000x128xf32, #tpu.memory_space<hbm>>) dst(%dma_wait3A_141 : memref<64x128xf32, #tpu.memory_space<vmem>>)
      %mul3A_148 = arith.constant 64 : i32
      %mul3A_149 = arith.muli %rem3A_121, %mul3A_148 : i32
      %scan3A_150 = arith.constant 0 : i32
      %scan3A_151 = arith.constant 0 : i32
      %scan3A_152 = arith.constant 4 : i32
      %scan3A_153 = arith.addi %scan3A_151, %scan3A_152 : i32
      %scan3A_154 = arith.constant 1 : i32
      %scan3A_155 = scf.for %scan3A_158 = %scan3A_151 to %scan3A_153 step %scan3A_154 iter_args(%scan3A_159 = %scan3A_150) -> (i32)  : i32 {
        %mul3A_160 = arith.constant 16 : i32
        %mul3A_161 = arith.muli %scan3A_158, %mul3A_160 : i32
        %add3A_162 = arith.addi %mul3A_149, %mul3A_161 : i32
        %add3A_163 = arith.constant 0 : i32
        %add3A_164 = arith.addi %add3A_162, %add3A_163 : i32
        %get3A_165 = arith.index_cast %add3A_164 : i32 to index
        %get3A_166 = arith.constant 0 : index
        %get3A_167 = tpu.vector_load %arg12[%get3A_165, %get3A_166] {strides = array<i32>} : memref<192x128xf32, #tpu.memory_space<vmem>>, vector<16xf32>,
        %get3A_168 = arith.index_cast %add3A_164 : i32 to index
        %get3A_169 = arith.constant 0 : index
        %get3A_170 = tpu.vector_load %arg13[%get3A_168, %get3A_169] {strides = array<i32>} : memref<192x128xf32, #tpu.memory_space<vmem>>, vector<16xf32>,
        %mul3A_171 = arith.mulf %get3A_167, %get3A_170 : vector<16xf32>
        %get3A_172 = arith.index_cast %add3A_164 : i32 to index
        %get3A_173 = arith.constant 16 : index
        %get3A_174 = tpu.vector_load %arg12[%get3A_172, %get3A_173] {strides = array<i32>} : memref<192x128xf32, #tpu.memory_space<vmem>>, vector<16xf32>,
        %get3A_175 = arith.index_cast %add3A_164 : i32 to index
        %get3A_176 = arith.constant 16 : index
        %get3A_177 = tpu.vector_load %arg13[%get3A_175, %get3A_176] {strides = array<i32>} : memref<192x128xf32, #tpu.memory_space<vmem>>, vector<16xf32>,
        %mul3A_178 = arith.mulf %get3A_174, %get3A_177 : vector<16xf32>
        %get3A_179 = arith.index_cast %add3A_164 : i32 to index
        %get3A_180 = arith.constant 32 : index
        %get3A_181 = tpu.vector_load %arg12[%get3A_179, %get3A_180] {strides = array<i32>} : memref<192x128xf32, #tpu.memory_space<vmem>>, vector<16xf32>,
        %get3A_182 = arith.index_cast %add3A_164 : i32 to index
        %get3A_183 = arith.constant 32 : index
        %get3A_184 = tpu.vector_load %arg13[%get3A_182, %get3A_183] {strides = array<i32>} : memref<192x128xf32, #tpu.memory_space<vmem>>, vector<16xf32>,
        %mul3A_185 = arith.mulf %get3A_181, %get3A_184 : vector<16xf32>
        %get3A_186 = arith.index_cast %add3A_164 : i32 to index
        %get3A_187 = arith.constant 48 : index
        %get3A_188 = tpu.vector_load %arg12[%get3A_186, %get3A_187] {strides = array<i32>} : memref<192x128xf32, #tpu.memory_space<vmem>>, vector<16xf32>,
        %get3A_189 = arith.index_cast %add3A_164 : i32 to index
        %get3A_190 = arith.constant 48 : index
        %get3A_191 = tpu.vector_load %arg13[%get3A_189, %get3A_190] {strides = array<i32>} : memref<192x128xf32, #tpu.memory_space<vmem>>, vector<16xf32>,
        %mul3A_192 = arith.mulf %get3A_188, %get3A_191 : vector<16xf32>
        %get3A_193 = arith.index_cast %add3A_164 : i32 to index
        %get3A_194 = arith.constant 64 : index
        %get3A_195 = tpu.vector_load %arg12[%get3A_193, %get3A_194] {strides = array<i32>} : memref<192x128xf32, #tpu.memory_space<vmem>>, vector<16xf32>,
        %get3A_196 = arith.index_cast %add3A_164 : i32 to index
        %get3A_197 = arith.constant 64 : index
        %get3A_198 = tpu.vector_load %arg13[%get3A_196, %get3A_197] {strides = array<i32>} : memref<192x128xf32, #tpu.memory_space<vmem>>, vector<16xf32>,
        %mul3A_199 = arith.mulf %get3A_195, %get3A_198 : vector<16xf32>
        %get3A_200 = arith.index_cast %add3A_164 : i32 to index
        %get3A_201 = arith.constant 80 : index
        %get3A_202 = tpu.vector_load %arg12[%get3A_200, %get3A_201] {strides = array<i32>} : memref<192x128xf32, #tpu.memory_space<vmem>>, vector<16xf32>,
        %get3A_203 = arith.index_cast %add3A_164 : i32 to index
        %get3A_204 = arith.constant 80 : index
        %get3A_205 = tpu.vector_load %arg13[%get3A_203, %get3A_204] {strides = array<i32>} : memref<192x128xf32, #tpu.memory_space<vmem>>, vector<16xf32>,
        %mul3A_206 = arith.mulf %get3A_202, %get3A_205 : vector<16xf32>
        %get3A_207 = arith.index_cast %add3A_164 : i32 to index
        %get3A_208 = arith.constant 96 : index
        %get3A_209 = tpu.vector_load %arg12[%get3A_207, %get3A_208] {strides = array<i32>} : memref<192x128xf32, #tpu.memory_space<vmem>>, vector<16xf32>,
        %get3A_210 = arith.index_cast %add3A_164 : i32 to index
        %get3A_211 = arith.constant 96 : index
        %get3A_212 = tpu.vector_load %arg13[%get3A_210, %get3A_211] {strides = array<i32>} : memref<192x128xf32, #tpu.memory_space<vmem>>, vector<16xf32>,
        %mul3A_213 = arith.mulf %get3A_209, %get3A_212 : vector<16xf32>
        %get3A_214 = arith.index_cast %add3A_164 : i32 to index
        %get3A_215 = arith.constant 112 : index
        %get3A_216 = tpu.vector_load %arg12[%get3A_214, %get3A_215] {strides = array<i32>} : memref<192x128xf32, #tpu.memory_space<vmem>>, vector<16xf32>,
        %get3A_217 = arith.index_cast %add3A_164 : i32 to index
        %get3A_218 = arith.constant 112 : index
        %get3A_219 = tpu.vector_load %arg13[%get3A_217, %get3A_218] {strides = array<i32>} : memref<192x128xf32, #tpu.memory_space<vmem>>, vector<16xf32>,
        %mul3A_220 = arith.mulf %get3A_216, %get3A_219 : vector<16xf32>
        %add3A_221 = arith.addf %mul3A_171, %mul3A_178 : vector<16xf32>
        %add3A_222 = arith.addf %mul3A_185, %mul3A_192 : vector<16xf32>
        %add3A_223 = arith.addf %mul3A_199, %mul3A_206 : vector<16xf32>
        %add3A_224 = arith.addf %mul3A_213, %mul3A_220 : vector<16xf32>
        %add3A_225 = arith.addf %add3A_221, %add3A_222 : vector<16xf32>
        %add3A_226 = arith.addf %add3A_223, %add3A_224 : vector<16xf32>
        %add3A_227 = arith.addf %add3A_225, %add3A_226 : vector<16xf32>
        %swap3A = arith.constant 0 : index
        %swap3A_228 = tpu.vector_load %arg18[%swap3A] {strides = array<i32>} : memref<256xf32, #tpu.memory_space<vmem>>, vector<16xf32>,
        tpu.vector_store %arg18[%swap3A], %add3A_227 {strides = array<i32>} : memref<256xf32, #tpu.memory_space<vmem>>, vector<16xf32>,
        %mul3A_229 = arith.constant 16 : i32
        %mul3A_230 = arith.muli %scan3A_158, %mul3A_229 : i32
        %add3A_231 = arith.addi %mul3A_149, %mul3A_230 : i32
        %add3A_232 = arith.constant 1 : i32
        %add3A_233 = arith.addi %add3A_231, %add3A_232 : i32
        %get3A_234 = arith.index_cast %add3A_233 : i32 to index
        %get3A_235 = arith.constant 0 : index
        %get3A_236 = tpu.vector_load %arg12[%get3A_234, %get3A_235] {strides = array<i32>} : memref<192x128xf32, #tpu.memory_space<vmem>>, vector<16xf32>,
        %get3A_237 = arith.index_cast %add3A_233 : i32 to index
        %get3A_238 = arith.constant 0 : index
        %get3A_239 = tpu.vector_load %arg13[%get3A_237, %get3A_238] {strides = array<i32>} : memref<192x128xf32, #tpu.memory_space<vmem>>, vector<16xf32>,
        %mul3A_240 = arith.mulf %get3A_236, %get3A_239 : vector<16xf32>
        %get3A_241 = arith.index_cast %add3A_233 : i32 to index
        %get3A_242 = arith.constant 16 : index
        %get3A_243 = tpu.vector_load %arg12[%get3A_241, %get3A_242] {strides = array<i32>} : memref<192x128xf32, #tpu.memory_space<vmem>>, vector<16xf32>,
        %get3A_244 = arith.index_cast %add3A_233 : i32 to index
        %get3A_245 = arith.constant 16 : index
        %get3A_246 = tpu.vector_load %arg13[%get3A_244, %get3A_245] {strides = array<i32>} : memref<192x128xf32, #tpu.memory_space<vmem>>, vector<16xf32>,
        %mul3A_247 = arith.mulf %get3A_243, %get3A_246 : vector<16xf32>
        %get3A_248 = arith.index_cast %add3A_233 : i32 to index
        %get3A_249 = arith.constant 32 : index
        %get3A_250 = tpu.vector_load %arg12[%get3A_248, %get3A_249] {strides = array<i32>} : memref<192x128xf32, #tpu.memory_space<vmem>>, vector<16xf32>,
        %get3A_251 = arith.index_cast %add3A_233 : i32 to index
        %get3A_252 = arith.constant 32 : index
        %get3A_253 = tpu.vector_load %arg13[%get3A_251, %get3A_252] {strides = array<i32>} : memref<192x128xf32, #tpu.memory_space<vmem>>, vector<16xf32>,
        %mul3A_254 = arith.mulf %get3A_250, %get3A_253 : vector<16xf32>
        %get3A_255 = arith.index_cast %add3A_233 : i32 to index
        %get3A_256 = arith.constant 48 : index
        %get3A_257 = tpu.vector_load %arg12[%get3A_255, %get3A_256] {strides = array<i32>} : memref<192x128xf32, #tpu.memory_space<vmem>>, vector<16xf32>,
        %get3A_258 = arith.index_cast %add3A_233 : i32 to index
        %get3A_259 = arith.constant 48 : index
        %get3A_260 = tpu.vector_load %arg13[%get3A_258, %get3A_259] {strides = array<i32>} : memref<192x128xf32, #tpu.memory_space<vmem>>, vector<16xf32>,
        %mul3A_261 = arith.mulf %get3A_257, %get3A_260 : vector<16xf32>
        %get3A_262 = arith.index_cast %add3A_233 : i32 to index
        %get3A_263 = arith.constant 64 : index
        %get3A_264 = tpu.vector_load %arg12[%get3A_262, %get3A_263] {strides = array<i32>} : memref<192x128xf32, #tpu.memory_space<vmem>>, vector<16xf32>,
        %get3A_265 = arith.index_cast %add3A_233 : i32 to index
        %get3A_266 = arith.constant 64 : index
        %get3A_267 = tpu.vector_load %arg13[%get3A_265, %get3A_266] {strides = array<i32>} : memref<192x128xf32, #tpu.memory_space<vmem>>, vector<16xf32>,
        %mul3A_268 = arith.mulf %get3A_264, %get3A_267 : vector<16xf32>
        %get3A_269 = arith.index_cast %add3A_233 : i32 to index
        %get3A_270 = arith.constant 80 : index
        %get3A_271 = tpu.vector_load %arg12[%get3A_269, %get3A_270] {strides = array<i32>} : memref<192x128xf32, #tpu.memory_space<vmem>>, vector<16xf32>,
        %get3A_272 = arith.index_cast %add3A_233 : i32 to index
        %get3A_273 = arith.constant 80 : index
        %get3A_274 = tpu.vector_load %arg13[%get3A_272, %get3A_273] {strides = array<i32>} : memref<192x128xf32, #tpu.memory_space<vmem>>, vector<16xf32>,
        %mul3A_275 = arith.mulf %get3A_271, %get3A_274 : vector<16xf32>
        %get3A_276 = arith.index_cast %add3A_233 : i32 to index
        %get3A_277 = arith.constant 96 : index
        %get3A_278 = tpu.vector_load %arg12[%get3A_276, %get3A_277] {strides = array<i32>} : memref<192x128xf32, #tpu.memory_space<vmem>>, vector<16xf32>,
        %get3A_279 = arith.index_cast %add3A_233 : i32 to index
        %get3A_280 = arith.constant 96 : index
        %get3A_281 = tpu.vector_load %arg13[%get3A_279, %get3A_280] {strides = array<i32>} : memref<192x128xf32, #tpu.memory_space<vmem>>, vector<16xf32>,
        %mul3A_282 = arith.mulf %get3A_278, %get3A_281 : vector<16xf32>
        %get3A_283 = arith.index_cast %add3A_233 : i32 to index
        %get3A_284 = arith.constant 112 : index
        %get3A_285 = tpu.vector_load %arg12[%get3A_283, %get3A_284] {strides = array<i32>} : memref<192x128xf32, #tpu.memory_space<vmem>>, vector<16xf32>,
        %get3A_286 = arith.index_cast %add3A_233 : i32 to index
        %get3A_287 = arith.constant 112 : index
        %get3A_288 = tpu.vector_load %arg13[%get3A_286, %get3A_287] {strides = array<i32>} : memref<192x128xf32, #tpu.memory_space<vmem>>, vector<16xf32>,
        %mul3A_289 = arith.mulf %get3A_285, %get3A_288 : vector<16xf32>
        %add3A_290 = arith.addf %mul3A_240, %mul3A_247 : vector<16xf32>
        %add3A_291 = arith.addf %mul3A_254, %mul3A_261 : vector<16xf32>
        %add3A_292 = arith.addf %mul3A_268, %mul3A_275 : vector<16xf32>
        %add3A_293 = arith.addf %mul3A_282, %mul3A_289 : vector<16xf32>
        %add3A_294 = arith.addf %add3A_290, %add3A_291 : vector<16xf32>
        %add3A_295 = arith.addf %add3A_292, %add3A_293 : vector<16xf32>
        %add3A_296 = arith.addf %add3A_294, %add3A_295 : vector<16xf32>
        %swap3A_297 = arith.constant 16 : index
        %swap3A_298 = tpu.vector_load %arg18[%swap3A_297] {strides = array<i32>} : memref<256xf32, #tpu.memory_space<vmem>>, vector<16xf32>,
        tpu.vector_store %arg18[%swap3A_297], %add3A_296 {strides = array<i32>} : memref<256xf32, #tpu.memory_space<vmem>>, vector<16xf32>,
        %mul3A_299 = arith.constant 16 : i32
        %mul3A_300 = arith.muli %scan3A_158, %mul3A_299 : i32
        %add3A_301 = arith.addi %mul3A_149, %mul3A_300 : i32
        %add3A_302 = arith.constant 2 : i32
        %add3A_303 = arith.addi %add3A_301, %add3A_302 : i32
        %get3A_304 = arith.index_cast %add3A_303 : i32 to index
        %get3A_305 = arith.constant 0 : index
        %get3A_306 = tpu.vector_load %arg12[%get3A_304, %get3A_305] {strides = array<i32>} : memref<192x128xf32, #tpu.memory_space<vmem>>, vector<16xf32>,
        %get3A_307 = arith.index_cast %add3A_303 : i32 to index
        %get3A_308 = arith.constant 0 : index
        %get3A_309 = tpu.vector_load %arg13[%get3A_307, %get3A_308] {strides = array<i32>} : memref<192x128xf32, #tpu.memory_space<vmem>>, vector<16xf32>,
        %mul3A_310 = arith.mulf %get3A_306, %get3A_309 : vector<16xf32>
        %get3A_311 = arith.index_cast %add3A_303 : i32 to index
        %get3A_312 = arith.constant 16 : index
        %get3A_313 = tpu.vector_load %arg12[%get3A_311, %get3A_312] {strides = array<i32>} : memref<192x128xf32, #tpu.memory_space<vmem>>, vector<16xf32>,
        %get3A_314 = arith.index_cast %add3A_303 : i32 to index
        %get3A_315 = arith.constant 16 : index
        %get3A_316 = tpu.vector_load %arg13[%get3A_314, %get3A_315] {strides = array<i32>} : memref<192x128xf32, #tpu.memory_space<vmem>>, vector<16xf32>,
        %mul3A_317 = arith.mulf %get3A_313, %get3A_316 : vector<16xf32>
        %get3A_318 = arith.index_cast %add3A_303 : i32 to index
        %get3A_319 = arith.constant 32 : index
        %get3A_320 = tpu.vector_load %arg12[%get3A_318, %get3A_319] {strides = array<i32>} : memref<192x128xf32, #tpu.memory_space<vmem>>, vector<16xf32>,
        %get3A_321 = arith.index_cast %add3A_303 : i32 to index
        %get3A_322 = arith.constant 32 : index
        %get3A_323 = tpu.vector_load %arg13[%get3A_321, %get3A_322] {strides = array<i32>} : memref<192x128xf32, #tpu.memory_space<vmem>>, vector<16xf32>,
        %mul3A_324 = arith.mulf %get3A_320, %get3A_323 : vector<16xf32>
        %get3A_325 = arith.index_cast %add3A_303 : i32 to index
        %get3A_326 = arith.constant 48 : index
        %get3A_327 = tpu.vector_load %arg12[%get3A_325, %get3A_326] {strides = array<i32>} : memref<192x128xf32, #tpu.memory_space<vmem>>, vector<16xf32>,
        %get3A_328 = arith.index_cast %add3A_303 : i32 to index
        %get3A_329 = arith.constant 48 : index
        %get3A_330 = tpu.vector_load %arg13[%get3A_328, %get3A_329] {strides = array<i32>} : memref<192x128xf32, #tpu.memory_space<vmem>>, vector<16xf32>,
        %mul3A_331 = arith.mulf %get3A_327, %get3A_330 : vector<16xf32>
        %get3A_332 = arith.index_cast %add3A_303 : i32 to index
        %get3A_333 = arith.constant 64 : index
        %get3A_334 = tpu.vector_load %arg12[%get3A_332, %get3A_333] {strides = array<i32>} : memref<192x128xf32, #tpu.memory_space<vmem>>, vector<16xf32>,
        %get3A_335 = arith.index_cast %add3A_303 : i32 to index
        %get3A_336 = arith.constant 64 : index
        %get3A_337 = tpu.vector_load %arg13[%get3A_335, %get3A_336] {strides = array<i32>} : memref<192x128xf32, #tpu.memory_space<vmem>>, vector<16xf32>,
        %mul3A_338 = arith.mulf %get3A_334, %get3A_337 : vector<16xf32>
        %get3A_339 = arith.index_cast %add3A_303 : i32 to index
        %get3A_340 = arith.constant 80 : index
        %get3A_341 = tpu.vector_load %arg12[%get3A_339, %get3A_340] {strides = array<i32>} : memref<192x128xf32, #tpu.memory_space<vmem>>, vector<16xf32>,
        %get3A_342 = arith.index_cast %add3A_303 : i32 to index
        %get3A_343 = arith.constant 80 : index
        %get3A_344 = tpu.vector_load %arg13[%get3A_342, %get3A_343] {strides = array<i32>} : memref<192x128xf32, #tpu.memory_space<vmem>>, vector<16xf32>,
        %mul3A_345 = arith.mulf %get3A_341, %get3A_344 : vector<16xf32>
        %get3A_346 = arith.index_cast %add3A_303 : i32 to index
        %get3A_347 = arith.constant 96 : index
        %get3A_348 = tpu.vector_load %arg12[%get3A_346, %get3A_347] {strides = array<i32>} : memref<192x128xf32, #tpu.memory_space<vmem>>, vector<16xf32>,
        %get3A_349 = arith.index_cast %add3A_303 : i32 to index
        %get3A_350 = arith.constant 96 : index
        %get3A_351 = tpu.vector_load %arg13[%get3A_349, %get3A_350] {strides = array<i32>} : memref<192x128xf32, #tpu.memory_space<vmem>>, vector<16xf32>,
        %mul3A_352 = arith.mulf %get3A_348, %get3A_351 : vector<16xf32>
        %get3A_353 = arith.index_cast %add3A_303 : i32 to index
        %get3A_354 = arith.constant 112 : index
        %get3A_355 = tpu.vector_load %arg12[%get3A_353, %get3A_354] {strides = array<i32>} : memref<192x128xf32, #tpu.memory_space<vmem>>, vector<16xf32>,
        %get3A_356 = arith.index_cast %add3A_303 : i32 to index
        %get3A_357 = arith.constant 112 : index
        %get3A_358 = tpu.vector_load %arg13[%get3A_356, %get3A_357] {strides = array<i32>} : memref<192x128xf32, #tpu.memory_space<vmem>>, vector<16xf32>,
        %mul3A_359 = arith.mulf %get3A_355, %get3A_358 : vector<16xf32>
        %add3A_360 = arith.addf %mul3A_310, %mul3A_317 : vector<16xf32>
        %add3A_361 = arith.addf %mul3A_324, %mul3A_331 : vector<16xf32>
        %add3A_362 = arith.addf %mul3A_338, %mul3A_345 : vector<16xf32>
        %add3A_363 = arith.addf %mul3A_352, %mul3A_359 : vector<16xf32>
        %add3A_364 = arith.addf %add3A_360, %add3A_361 : vector<16xf32>
        %add3A_365 = arith.addf %add3A_362, %add3A_363 : vector<16xf32>
        %add3A_366 = arith.addf %add3A_364, %add3A_365 : vector<16xf32>
        %swap3A_367 = arith.constant 32 : index
        %swap3A_368 = tpu.vector_load %arg18[%swap3A_367] {strides = array<i32>} : memref<256xf32, #tpu.memory_space<vmem>>, vector<16xf32>,
        tpu.vector_store %arg18[%swap3A_367], %add3A_366 {strides = array<i32>} : memref<256xf32, #tpu.memory_space<vmem>>, vector<16xf32>,
        %mul3A_369 = arith.constant 16 : i32
        %mul3A_370 = arith.muli %scan3A_158, %mul3A_369 : i32
        %add3A_371 = arith.addi %mul3A_149, %mul3A_370 : i32
        %add3A_372 = arith.constant 3 : i32
        %add3A_373 = arith.addi %add3A_371, %add3A_372 : i32
        %get3A_374 = arith.index_cast %add3A_373 : i32 to index
        %get3A_375 = arith.constant 0 : index
        %get3A_376 = tpu.vector_load %arg12[%get3A_374, %get3A_375] {strides = array<i32>} : memref<192x128xf32, #tpu.memory_space<vmem>>, vector<16xf32>,
        %get3A_377 = arith.index_cast %add3A_373 : i32 to index
        %get3A_378 = arith.constant 0 : index
        %get3A_379 = tpu.vector_load %arg13[%get3A_377, %get3A_378] {strides = array<i32>} : memref<192x128xf32, #tpu.memory_space<vmem>>, vector<16xf32>,
        %mul3A_380 = arith.mulf %get3A_376, %get3A_379 : vector<16xf32>
        %get3A_381 = arith.index_cast %add3A_373 : i32 to index
        %get3A_382 = arith.constant 16 : index
        %get3A_383 = tpu.vector_load %arg12[%get3A_381, %get3A_382] {strides = array<i32>} : memref<192x128xf32, #tpu.memory_space<vmem>>, vector<16xf32>,
        %get3A_384 = arith.index_cast %add3A_373 : i32 to index
        %get3A_385 = arith.constant 16 : index
        %get3A_386 = tpu.vector_load %arg13[%get3A_384, %get3A_385] {strides = array<i32>} : memref<192x128xf32, #tpu.memory_space<vmem>>, vector<16xf32>,
        %mul3A_387 = arith.mulf %get3A_383, %get3A_386 : vector<16xf32>
        %get3A_388 = arith.index_cast %add3A_373 : i32 to index
        %get3A_389 = arith.constant 32 : index
        %get3A_390 = tpu.vector_load %arg12[%get3A_388, %get3A_389] {strides = array<i32>} : memref<192x128xf32, #tpu.memory_space<vmem>>, vector<16xf32>,
        %get3A_391 = arith.index_cast %add3A_373 : i32 to index
        %get3A_392 = arith.constant 32 : index
        %get3A_393 = tpu.vector_load %arg13[%get3A_391, %get3A_392] {strides = array<i32>} : memref<192x128xf32, #tpu.memory_space<vmem>>, vector<16xf32>,
        %mul3A_394 = arith.mulf %get3A_390, %get3A_393 : vector<16xf32>
        %get3A_395 = arith.index_cast %add3A_373 : i32 to index
        %get3A_396 = arith.constant 48 : index
        %get3A_397 = tpu.vector_load %arg12[%get3A_395, %get3A_396] {strides = array<i32>} : memref<192x128xf32, #tpu.memory_space<vmem>>, vector<16xf32>,
        %get3A_398 = arith.index_cast %add3A_373 : i32 to index
        %get3A_399 = arith.constant 48 : index
        %get3A_400 = tpu.vector_load %arg13[%get3A_398, %get3A_399] {strides = array<i32>} : memref<192x128xf32, #tpu.memory_space<vmem>>, vector<16xf32>,
        %mul3A_401 = arith.mulf %get3A_397, %get3A_400 : vector<16xf32>
        %get3A_402 = arith.index_cast %add3A_373 : i32 to index
        %get3A_403 = arith.constant 64 : index
        %get3A_404 = tpu.vector_load %arg12[%get3A_402, %get3A_403] {strides = array<i32>} : memref<192x128xf32, #tpu.memory_space<vmem>>, vector<16xf32>,
        %get3A_405 = arith.index_cast %add3A_373 : i32 to index
        %get3A_406 = arith.constant 64 : index
        %get3A_407 = tpu.vector_load %arg13[%get3A_405, %get3A_406] {strides = array<i32>} : memref<192x128xf32, #tpu.memory_space<vmem>>, vector<16xf32>,
        %mul3A_408 = arith.mulf %get3A_404, %get3A_407 : vector<16xf32>
        %get3A_409 = arith.index_cast %add3A_373 : i32 to index
        %get3A_410 = arith.constant 80 : index
        %get3A_411 = tpu.vector_load %arg12[%get3A_409, %get3A_410] {strides = array<i32>} : memref<192x128xf32, #tpu.memory_space<vmem>>, vector<16xf32>,
        %get3A_412 = arith.index_cast %add3A_373 : i32 to index
        %get3A_413 = arith.constant 80 : index
        %get3A_414 = tpu.vector_load %arg13[%get3A_412, %get3A_413] {strides = array<i32>} : memref<192x128xf32, #tpu.memory_space<vmem>>, vector<16xf32>,
        %mul3A_415 = arith.mulf %get3A_411, %get3A_414 : vector<16xf32>
        %get3A_416 = arith.index_cast %add3A_373 : i32 to index
        %get3A_417 = arith.constant 96 : index
        %get3A_418 = tpu.vector_load %arg12[%get3A_416, %get3A_417] {strides = array<i32>} : memref<192x128xf32, #tpu.memory_space<vmem>>, vector<16xf32>,
        %get3A_419 = arith.index_cast %add3A_373 : i32 to index
        %get3A_420 = arith.constant 96 : index
        %get3A_421 = tpu.vector_load %arg13[%get3A_419, %get3A_420] {strides = array<i32>} : memref<192x128xf32, #tpu.memory_space<vmem>>, vector<16xf32>,
        %mul3A_422 = arith.mulf %get3A_418, %get3A_421 : vector<16xf32>
        %get3A_423 = arith.index_cast %add3A_373 : i32 to index
        %get3A_424 = arith.constant 112 : index
        %get3A_425 = tpu.vector_load %arg12[%get3A_423, %get3A_424] {strides = array<i32>} : memref<192x128xf32, #tpu.memory_space<vmem>>, vector<16xf32>,
        %get3A_426 = arith.index_cast %add3A_373 : i32 to index
        %get3A_427 = arith.constant 112 : index
        %get3A_428 = tpu.vector_load %arg13[%get3A_426, %get3A_427] {strides = array<i32>} : memref<192x128xf32, #tpu.memory_space<vmem>>, vector<16xf32>,
        %mul3A_429 = arith.mulf %get3A_425, %get3A_428 : vector<16xf32>
        %add3A_430 = arith.addf %mul3A_380, %mul3A_387 : vector<16xf32>
        %add3A_431 = arith.addf %mul3A_394, %mul3A_401 : vector<16xf32>
        %add3A_432 = arith.addf %mul3A_408, %mul3A_415 : vector<16xf32>
        %add3A_433 = arith.addf %mul3A_422, %mul3A_429 : vector<16xf32>
        %add3A_434 = arith.addf %add3A_430, %add3A_431 : vector<16xf32>
        %add3A_435 = arith.addf %add3A_432, %add3A_433 : vector<16xf32>
        %add3A_436 = arith.addf %add3A_434, %add3A_435 : vector<16xf32>
        %swap3A_437 = arith.constant 48 : index
        %swap3A_438 = tpu.vector_load %arg18[%swap3A_437] {strides = array<i32>} : memref<256xf32, #tpu.memory_space<vmem>>, vector<16xf32>,
        tpu.vector_store %arg18[%swap3A_437], %add3A_436 {strides = array<i32>} : memref<256xf32, #tpu.memory_space<vmem>>, vector<16xf32>,
        %mul3A_439 = arith.constant 16 : i32
        %mul3A_440 = arith.muli %scan3A_158, %mul3A_439 : i32
        %add3A_441 = arith.addi %mul3A_149, %mul3A_440 : i32
        %add3A_442 = arith.constant 4 : i32
        %add3A_443 = arith.addi %add3A_441, %add3A_442 : i32
        %get3A_444 = arith.index_cast %add3A_443 : i32 to index
        %get3A_445 = arith.constant 0 : index
        %get3A_446 = tpu.vector_load %arg12[%get3A_444, %get3A_445] {strides = array<i32>} : memref<192x128xf32, #tpu.memory_space<vmem>>, vector<16xf32>,
        %get3A_447 = arith.index_cast %add3A_443 : i32 to index
        %get3A_448 = arith.constant 0 : index
        %get3A_449 = tpu.vector_load %arg13[%get3A_447, %get3A_448] {strides = array<i32>} : memref<192x128xf32, #tpu.memory_space<vmem>>, vector<16xf32>,
        %mul3A_450 = arith.mulf %get3A_446, %get3A_449 : vector<16xf32>
        %get3A_451 = arith.index_cast %add3A_443 : i32 to index
        %get3A_452 = arith.constant 16 : index
        %get3A_453 = tpu.vector_load %arg12[%get3A_451, %get3A_452] {strides = array<i32>} : memref<192x128xf32, #tpu.memory_space<vmem>>, vector<16xf32>,
        %get3A_454 = arith.index_cast %add3A_443 : i32 to index
        %get3A_455 = arith.constant 16 : index
        %get3A_456 = tpu.vector_load %arg13[%get3A_454, %get3A_455] {strides = array<i32>} : memref<192x128xf32, #tpu.memory_space<vmem>>, vector<16xf32>,
        %mul3A_457 = arith.mulf %get3A_453, %get3A_456 : vector<16xf32>
        %get3A_458 = arith.index_cast %add3A_443 : i32 to index
        %get3A_459 = arith.constant 32 : index
        %get3A_460 = tpu.vector_load %arg12[%get3A_458, %get3A_459] {strides = array<i32>} : memref<192x128xf32, #tpu.memory_space<vmem>>, vector<16xf32>,
        %get3A_461 = arith.index_cast %add3A_443 : i32 to index
        %get3A_462 = arith.constant 32 : index
        %get3A_463 = tpu.vector_load %arg13[%get3A_461, %get3A_462] {strides = array<i32>} : memref<192x128xf32, #tpu.memory_space<vmem>>, vector<16xf32>,
        %mul3A_464 = arith.mulf %get3A_460, %get3A_463 : vector<16xf32>
        %get3A_465 = arith.index_cast %add3A_443 : i32 to index
        %get3A_466 = arith.constant 48 : index
        %get3A_467 = tpu.vector_load %arg12[%get3A_465, %get3A_466] {strides = array<i32>} : memref<192x128xf32, #tpu.memory_space<vmem>>, vector<16xf32>,
        %get3A_468 = arith.index_cast %add3A_443 : i32 to index
        %get3A_469 = arith.constant 48 : index
        %get3A_470 = tpu.vector_load %arg13[%get3A_468, %get3A_469] {strides = array<i32>} : memref<192x128xf32, #tpu.memory_space<vmem>>, vector<16xf32>,
        %mul3A_471 = arith.mulf %get3A_467, %get3A_470 : vector<16xf32>
        %get3A_472 = arith.index_cast %add3A_443 : i32 to index
        %get3A_473 = arith.constant 64 : index
        %get3A_474 = tpu.vector_load %arg12[%get3A_472, %get3A_473] {strides = array<i32>} : memref<192x128xf32, #tpu.memory_space<vmem>>, vector<16xf32>,
        %get3A_475 = arith.index_cast %add3A_443 : i32 to index
        %get3A_476 = arith.constant 64 : index
        %get3A_477 = tpu.vector_load %arg13[%get3A_475, %get3A_476] {strides = array<i32>} : memref<192x128xf32, #tpu.memory_space<vmem>>, vector<16xf32>,
        %mul3A_478 = arith.mulf %get3A_474, %get3A_477 : vector<16xf32>
        %get3A_479 = arith.index_cast %add3A_443 : i32 to index
        %get3A_480 = arith.constant 80 : index
        %get3A_481 = tpu.vector_load %arg12[%get3A_479, %get3A_480] {strides = array<i32>} : memref<192x128xf32, #tpu.memory_space<vmem>>, vector<16xf32>,
        %get3A_482 = arith.index_cast %add3A_443 : i32 to index
        %get3A_483 = arith.constant 80 : index
        %get3A_484 = tpu.vector_load %arg13[%get3A_482, %get3A_483] {strides = array<i32>} : memref<192x128xf32, #tpu.memory_space<vmem>>, vector<16xf32>,
        %mul3A_485 = arith.mulf %get3A_481, %get3A_484 : vector<16xf32>
        %get3A_486 = arith.index_cast %add3A_443 : i32 to index
        %get3A_487 = arith.constant 96 : index
        %get3A_488 = tpu.vector_load %arg12[%get3A_486, %get3A_487] {strides = array<i32>} : memref<192x128xf32, #tpu.memory_space<vmem>>, vector<16xf32>,
        %get3A_489 = arith.index_cast %add3A_443 : i32 to index
        %get3A_490 = arith.constant 96 : index
        %get3A_491 = tpu.vector_load %arg13[%get3A_489, %get3A_490] {strides = array<i32>} : memref<192x128xf32, #tpu.memory_space<vmem>>, vector<16xf32>,
        %mul3A_492 = arith.mulf %get3A_488, %get3A_491 : vector<16xf32>
        %get3A_493 = arith.index_cast %add3A_443 : i32 to index
        %get3A_494 = arith.constant 112 : index
        %get3A_495 = tpu.vector_load %arg12[%get3A_493, %get3A_494] {strides = array<i32>} : memref<192x128xf32, #tpu.memory_space<vmem>>, vector<16xf32>,
        %get3A_496 = arith.index_cast %add3A_443 : i32 to index
        %get3A_497 = arith.constant 112 : index
        %get3A_498 = tpu.vector_load %arg13[%get3A_496, %get3A_497] {strides = array<i32>} : memref<192x128xf32, #tpu.memory_space<vmem>>, vector<16xf32>,
        %mul3A_499 = arith.mulf %get3A_495, %get3A_498 : vector<16xf32>
        %add3A_500 = arith.addf %mul3A_450, %mul3A_457 : vector<16xf32>
        %add3A_501 = arith.addf %mul3A_464, %mul3A_471 : vector<16xf32>
        %add3A_502 = arith.addf %mul3A_478, %mul3A_485 : vector<16xf32>
        %add3A_503 = arith.addf %mul3A_492, %mul3A_499 : vector<16xf32>
        %add3A_504 = arith.addf %add3A_500, %add3A_501 : vector<16xf32>
        %add3A_505 = arith.addf %add3A_502, %add3A_503 : vector<16xf32>
        %add3A_506 = arith.addf %add3A_504, %add3A_505 : vector<16xf32>
        %swap3A_507 = arith.constant 64 : index
        %swap3A_508 = tpu.vector_load %arg18[%swap3A_507] {strides = array<i32>} : memref<256xf32, #tpu.memory_space<vmem>>, vector<16xf32>,
        tpu.vector_store %arg18[%swap3A_507], %add3A_506 {strides = array<i32>} : memref<256xf32, #tpu.memory_space<vmem>>, vector<16xf32>,
        %mul3A_509 = arith.constant 16 : i32
        %mul3A_510 = arith.muli %scan3A_158, %mul3A_509 : i32
        %add3A_511 = arith.addi %mul3A_149, %mul3A_510 : i32
        %add3A_512 = arith.constant 5 : i32
        %add3A_513 = arith.addi %add3A_511, %add3A_512 : i32
        %get3A_514 = arith.index_cast %add3A_513 : i32 to index
        %get3A_515 = arith.constant 0 : index
        %get3A_516 = tpu.vector_load %arg12[%get3A_514, %get3A_515] {strides = array<i32>} : memref<192x128xf32, #tpu.memory_space<vmem>>, vector<16xf32>,
        %get3A_517 = arith.index_cast %add3A_513 : i32 to index
        %get3A_518 = arith.constant 0 : index
        %get3A_519 = tpu.vector_load %arg13[%get3A_517, %get3A_518] {strides = array<i32>} : memref<192x128xf32, #tpu.memory_space<vmem>>, vector<16xf32>,
        %mul3A_520 = arith.mulf %get3A_516, %get3A_519 : vector<16xf32>
        %get3A_521 = arith.index_cast %add3A_513 : i32 to index
        %get3A_522 = arith.constant 16 : index
        %get3A_523 = tpu.vector_load %arg12[%get3A_521, %get3A_522] {strides = array<i32>} : memref<192x128xf32, #tpu.memory_space<vmem>>, vector<16xf32>,
        %get3A_524 = arith.index_cast %add3A_513 : i32 to index
        %get3A_525 = arith.constant 16 : index
        %get3A_526 = tpu.vector_load %arg13[%get3A_524, %get3A_525] {strides = array<i32>} : memref<192x128xf32, #tpu.memory_space<vmem>>, vector<16xf32>,
        %mul3A_527 = arith.mulf %get3A_523, %get3A_526 : vector<16xf32>
        %get3A_528 = arith.index_cast %add3A_513 : i32 to index
        %get3A_529 = arith.constant 32 : index
        %get3A_530 = tpu.vector_load %arg12[%get3A_528, %get3A_529] {strides = array<i32>} : memref<192x128xf32, #tpu.memory_space<vmem>>, vector<16xf32>,
        %get3A_531 = arith.index_cast %add3A_513 : i32 to index
        %get3A_532 = arith.constant 32 : index
        %get3A_533 = tpu.vector_load %arg13[%get3A_531, %get3A_532] {strides = array<i32>} : memref<192x128xf32, #tpu.memory_space<vmem>>, vector<16xf32>,
        %mul3A_534 = arith.mulf %get3A_530, %get3A_533 : vector<16xf32>
        %get3A_535 = arith.index_cast %add3A_513 : i32 to index
        %get3A_536 = arith.constant 48 : index
        %get3A_537 = tpu.vector_load %arg12[%get3A_535, %get3A_536] {strides = array<i32>} : memref<192x128xf32, #tpu.memory_space<vmem>>, vector<16xf32>,
        %get3A_538 = arith.index_cast %add3A_513 : i32 to index
        %get3A_539 = arith.constant 48 : index
        %get3A_540 = tpu.vector_load %arg13[%get3A_538, %get3A_539] {strides = array<i32>} : memref<192x128xf32, #tpu.memory_space<vmem>>, vector<16xf32>,
        %mul3A_541 = arith.mulf %get3A_537, %get3A_540 : vector<16xf32>
        %get3A_542 = arith.index_cast %add3A_513 : i32 to index
        %get3A_543 = arith.constant 64 : index
        %get3A_544 = tpu.vector_load %arg12[%get3A_542, %get3A_543] {strides = array<i32>} : memref<192x128xf32, #tpu.memory_space<vmem>>, vector<16xf32>,
        %get3A_545 = arith.index_cast %add3A_513 : i32 to index
        %get3A_546 = arith.constant 64 : index
        %get3A_547 = tpu.vector_load %arg13[%get3A_545, %get3A_546] {strides = array<i32>} : memref<192x128xf32, #tpu.memory_space<vmem>>, vector<16xf32>,
        %mul3A_548 = arith.mulf %get3A_544, %get3A_547 : vector<16xf32>
        %get3A_549 = arith.index_cast %add3A_513 : i32 to index
        %get3A_550 = arith.constant 80 : index
        %get3A_551 = tpu.vector_load %arg12[%get3A_549, %get3A_550] {strides = array<i32>} : memref<192x128xf32, #tpu.memory_space<vmem>>, vector<16xf32>,
        %get3A_552 = arith.index_cast %add3A_513 : i32 to index
        %get3A_553 = arith.constant 80 : index
        %get3A_554 = tpu.vector_load %arg13[%get3A_552, %get3A_553] {strides = array<i32>} : memref<192x128xf32, #tpu.memory_space<vmem>>, vector<16xf32>,
        %mul3A_555 = arith.mulf %get3A_551, %get3A_554 : vector<16xf32>
        %get3A_556 = arith.index_cast %add3A_513 : i32 to index
        %get3A_557 = arith.constant 96 : index
        %get3A_558 = tpu.vector_load %arg12[%get3A_556, %get3A_557] {strides = array<i32>} : memref<192x128xf32, #tpu.memory_space<vmem>>, vector<16xf32>,
        %get3A_559 = arith.index_cast %add3A_513 : i32 to index
        %get3A_560 = arith.constant 96 : index
        %get3A_561 = tpu.vector_load %arg13[%get3A_559, %get3A_560] {strides = array<i32>} : memref<192x128xf32, #tpu.memory_space<vmem>>, vector<16xf32>,
        %mul3A_562 = arith.mulf %get3A_558, %get3A_561 : vector<16xf32>
        %get3A_563 = arith.index_cast %add3A_513 : i32 to index
        %get3A_564 = arith.constant 112 : index
        %get3A_565 = tpu.vector_load %arg12[%get3A_563, %get3A_564] {strides = array<i32>} : memref<192x128xf32, #tpu.memory_space<vmem>>, vector<16xf32>,
        %get3A_566 = arith.index_cast %add3A_513 : i32 to index
        %get3A_567 = arith.constant 112 : index
        %get3A_568 = tpu.vector_load %arg13[%get3A_566, %get3A_567] {strides = array<i32>} : memref<192x128xf32, #tpu.memory_space<vmem>>, vector<16xf32>,
        %mul3A_569 = arith.mulf %get3A_565, %get3A_568 : vector<16xf32>
        %add3A_570 = arith.addf %mul3A_520, %mul3A_527 : vector<16xf32>
        %add3A_571 = arith.addf %mul3A_534, %mul3A_541 : vector<16xf32>
        %add3A_572 = arith.addf %mul3A_548, %mul3A_555 : vector<16xf32>
        %add3A_573 = arith.addf %mul3A_562, %mul3A_569 : vector<16xf32>
        %add3A_574 = arith.addf %add3A_570, %add3A_571 : vector<16xf32>
        %add3A_575 = arith.addf %add3A_572, %add3A_573 : vector<16xf32>
        %add3A_576 = arith.addf %add3A_574, %add3A_575 : vector<16xf32>
        %swap3A_577 = arith.constant 80 : index
        %swap3A_578 = tpu.vector_load %arg18[%swap3A_577] {strides = array<i32>} : memref<256xf32, #tpu.memory_space<vmem>>, vector<16xf32>,
        tpu.vector_store %arg18[%swap3A_577], %add3A_576 {strides = array<i32>} : memref<256xf32, #tpu.memory_space<vmem>>, vector<16xf32>,
        %mul3A_579 = arith.constant 16 : i32
        %mul3A_580 = arith.muli %scan3A_158, %mul3A_579 : i32
        %add3A_581 = arith.addi %mul3A_149, %mul3A_580 : i32
        %add3A_582 = arith.constant 6 : i32
        %add3A_583 = arith.addi %add3A_581, %add3A_582 : i32
        %get3A_584 = arith.index_cast %add3A_583 : i32 to index
        %get3A_585 = arith.constant 0 : index
        %get3A_586 = tpu.vector_load %arg12[%get3A_584, %get3A_585] {strides = array<i32>} : memref<192x128xf32, #tpu.memory_space<vmem>>, vector<16xf32>,
        %get3A_587 = arith.index_cast %add3A_583 : i32 to index
        %get3A_588 = arith.constant 0 : index
        %get3A_589 = tpu.vector_load %arg13[%get3A_587, %get3A_588] {strides = array<i32>} : memref<192x128xf32, #tpu.memory_space<vmem>>, vector<16xf32>,
        %mul3A_590 = arith.mulf %get3A_586, %get3A_589 : vector<16xf32>
        %get3A_591 = arith.index_cast %add3A_583 : i32 to index
        %get3A_592 = arith.constant 16 : index
        %get3A_593 = tpu.vector_load %arg12[%get3A_591, %get3A_592] {strides = array<i32>} : memref<192x128xf32, #tpu.memory_space<vmem>>, vector<16xf32>,
        %get3A_594 = arith.index_cast %add3A_583 : i32 to index
        %get3A_595 = arith.constant 16 : index
        %get3A_596 = tpu.vector_load %arg13[%get3A_594, %get3A_595] {strides = array<i32>} : memref<192x128xf32, #tpu.memory_space<vmem>>, vector<16xf32>,
        %mul3A_597 = arith.mulf %get3A_593, %get3A_596 : vector<16xf32>
        %get3A_598 = arith.index_cast %add3A_583 : i32 to index
        %get3A_599 = arith.constant 32 : index
        %get3A_600 = tpu.vector_load %arg12[%get3A_598, %get3A_599] {strides = array<i32>} : memref<192x128xf32, #tpu.memory_space<vmem>>, vector<16xf32>,
        %get3A_601 = arith.index_cast %add3A_583 : i32 to index
        %get3A_602 = arith.constant 32 : index
        %get3A_603 = tpu.vector_load %arg13[%get3A_601, %get3A_602] {strides = array<i32>} : memref<192x128xf32, #tpu.memory_space<vmem>>, vector<16xf32>,
        %mul3A_604 = arith.mulf %get3A_600, %get3A_603 : vector<16xf32>
        %get3A_605 = arith.index_cast %add3A_583 : i32 to index
        %get3A_606 = arith.constant 48 : index
        %get3A_607 = tpu.vector_load %arg12[%get3A_605, %get3A_606] {strides = array<i32>} : memref<192x128xf32, #tpu.memory_space<vmem>>, vector<16xf32>,
        %get3A_608 = arith.index_cast %add3A_583 : i32 to index
        %get3A_609 = arith.constant 48 : index
        %get3A_610 = tpu.vector_load %arg13[%get3A_608, %get3A_609] {strides = array<i32>} : memref<192x128xf32, #tpu.memory_space<vmem>>, vector<16xf32>,
        %mul3A_611 = arith.mulf %get3A_607, %get3A_610 : vector<16xf32>
        %get3A_612 = arith.index_cast %add3A_583 : i32 to index
        %get3A_613 = arith.constant 64 : index
        %get3A_614 = tpu.vector_load %arg12[%get3A_612, %get3A_613] {strides = array<i32>} : memref<192x128xf32, #tpu.memory_space<vmem>>, vector<16xf32>,
        %get3A_615 = arith.index_cast %add3A_583 : i32 to index
        %get3A_616 = arith.constant 64 : index
        %get3A_617 = tpu.vector_load %arg13[%get3A_615, %get3A_616] {strides = array<i32>} : memref<192x128xf32, #tpu.memory_space<vmem>>, vector<16xf32>,
        %mul3A_618 = arith.mulf %get3A_614, %get3A_617 : vector<16xf32>
        %get3A_619 = arith.index_cast %add3A_583 : i32 to index
        %get3A_620 = arith.constant 80 : index
        %get3A_621 = tpu.vector_load %arg12[%get3A_619, %get3A_620] {strides = array<i32>} : memref<192x128xf32, #tpu.memory_space<vmem>>, vector<16xf32>,
        %get3A_622 = arith.index_cast %add3A_583 : i32 to index
        %get3A_623 = arith.constant 80 : index
        %get3A_624 = tpu.vector_load %arg13[%get3A_622, %get3A_623] {strides = array<i32>} : memref<192x128xf32, #tpu.memory_space<vmem>>, vector<16xf32>,
        %mul3A_625 = arith.mulf %get3A_621, %get3A_624 : vector<16xf32>
        %get3A_626 = arith.index_cast %add3A_583 : i32 to index
        %get3A_627 = arith.constant 96 : index
        %get3A_628 = tpu.vector_load %arg12[%get3A_626, %get3A_627] {strides = array<i32>} : memref<192x128xf32, #tpu.memory_space<vmem>>, vector<16xf32>,
        %get3A_629 = arith.index_cast %add3A_583 : i32 to index
        %get3A_630 = arith.constant 96 : index
        %get3A_631 = tpu.vector_load %arg13[%get3A_629, %get3A_630] {strides = array<i32>} : memref<192x128xf32, #tpu.memory_space<vmem>>, vector<16xf32>,
        %mul3A_632 = arith.mulf %get3A_628, %get3A_631 : vector<16xf32>
        %get3A_633 = arith.index_cast %add3A_583 : i32 to index
        %get3A_634 = arith.constant 112 : index
        %get3A_635 = tpu.vector_load %arg12[%get3A_633, %get3A_634] {strides = array<i32>} : memref<192x128xf32, #tpu.memory_space<vmem>>, vector<16xf32>,
        %get3A_636 = arith.index_cast %add3A_583 : i32 to index
        %get3A_637 = arith.constant 112 : index
        %get3A_638 = tpu.vector_load %arg13[%get3A_636, %get3A_637] {strides = array<i32>} : memref<192x128xf32, #tpu.memory_space<vmem>>, vector<16xf32>,
        %mul3A_639 = arith.mulf %get3A_635, %get3A_638 : vector<16xf32>
        %add3A_640 = arith.addf %mul3A_590, %mul3A_597 : vector<16xf32>
        %add3A_641 = arith.addf %mul3A_604, %mul3A_611 : vector<16xf32>
        %add3A_642 = arith.addf %mul3A_618, %mul3A_625 : vector<16xf32>
        %add3A_643 = arith.addf %mul3A_632, %mul3A_639 : vector<16xf32>
        %add3A_644 = arith.addf %add3A_640, %add3A_641 : vector<16xf32>
        %add3A_645 = arith.addf %add3A_642, %add3A_643 : vector<16xf32>
        %add3A_646 = arith.addf %add3A_644, %add3A_645 : vector<16xf32>
        %swap3A_647 = arith.constant 96 : index
        %swap3A_648 = tpu.vector_load %arg18[%swap3A_647] {strides = array<i32>} : memref<256xf32, #tpu.memory_space<vmem>>, vector<16xf32>,
        tpu.vector_store %arg18[%swap3A_647], %add3A_646 {strides = array<i32>} : memref<256xf32, #tpu.memory_space<vmem>>, vector<16xf32>,
        %mul3A_649 = arith.constant 16 : i32
        %mul3A_650 = arith.muli %scan3A_158, %mul3A_649 : i32
        %add3A_651 = arith.addi %mul3A_149, %mul3A_650 : i32
        %add3A_652 = arith.constant 7 : i32
        %add3A_653 = arith.addi %add3A_651, %add3A_652 : i32
        %get3A_654 = arith.index_cast %add3A_653 : i32 to index
        %get3A_655 = arith.constant 0 : index
        %get3A_656 = tpu.vector_load %arg12[%get3A_654, %get3A_655] {strides = array<i32>} : memref<192x128xf32, #tpu.memory_space<vmem>>, vector<16xf32>,
        %get3A_657 = arith.index_cast %add3A_653 : i32 to index
        %get3A_658 = arith.constant 0 : index
        %get3A_659 = tpu.vector_load %arg13[%get3A_657, %get3A_658] {strides = array<i32>} : memref<192x128xf32, #tpu.memory_space<vmem>>, vector<16xf32>,
        %mul3A_660 = arith.mulf %get3A_656, %get3A_659 : vector<16xf32>
        %get3A_661 = arith.index_cast %add3A_653 : i32 to index
        %get3A_662 = arith.constant 16 : index
        %get3A_663 = tpu.vector_load %arg12[%get3A_661, %get3A_662] {strides = array<i32>} : memref<192x128xf32, #tpu.memory_space<vmem>>, vector<16xf32>,
        %get3A_664 = arith.index_cast %add3A_653 : i32 to index
        %get3A_665 = arith.constant 16 : index
        %get3A_666 = tpu.vector_load %arg13[%get3A_664, %get3A_665] {strides = array<i32>} : memref<192x128xf32, #tpu.memory_space<vmem>>, vector<16xf32>,
        %mul3A_667 = arith.mulf %get3A_663, %get3A_666 : vector<16xf32>
        %get3A_668 = arith.index_cast %add3A_653 : i32 to index
        %get3A_669 = arith.constant 32 : index
        %get3A_670 = tpu.vector_load %arg12[%get3A_668, %get3A_669] {strides = array<i32>} : memref<192x128xf32, #tpu.memory_space<vmem>>, vector<16xf32>,
        %get3A_671 = arith.index_cast %add3A_653 : i32 to index
        %get3A_672 = arith.constant 32 : index
        %get3A_673 = tpu.vector_load %arg13[%get3A_671, %get3A_672] {strides = array<i32>} : memref<192x128xf32, #tpu.memory_space<vmem>>, vector<16xf32>,
        %mul3A_674 = arith.mulf %get3A_670, %get3A_673 : vector<16xf32>
        %get3A_675 = arith.index_cast %add3A_653 : i32 to index
        %get3A_676 = arith.constant 48 : index
        %get3A_677 = tpu.vector_load %arg12[%get3A_675, %get3A_676] {strides = array<i32>} : memref<192x128xf32, #tpu.memory_space<vmem>>, vector<16xf32>,
        %get3A_678 = arith.index_cast %add3A_653 : i32 to index
        %get3A_679 = arith.constant 48 : index
        %get3A_680 = tpu.vector_load %arg13[%get3A_678, %get3A_679] {strides = array<i32>} : memref<192x128xf32, #tpu.memory_space<vmem>>, vector<16xf32>,
        %mul3A_681 = arith.mulf %get3A_677, %get3A_680 : vector<16xf32>
        %get3A_682 = arith.index_cast %add3A_653 : i32 to index
        %get3A_683 = arith.constant 64 : index
        %get3A_684 = tpu.vector_load %arg12[%get3A_682, %get3A_683] {strides = array<i32>} : memref<192x128xf32, #tpu.memory_space<vmem>>, vector<16xf32>,
        %get3A_685 = arith.index_cast %add3A_653 : i32 to index
        %get3A_686 = arith.constant 64 : index
        %get3A_687 = tpu.vector_load %arg13[%get3A_685, %get3A_686] {strides = array<i32>} : memref<192x128xf32, #tpu.memory_space<vmem>>, vector<16xf32>,
        %mul3A_688 = arith.mulf %get3A_684, %get3A_687 : vector<16xf32>
        %get3A_689 = arith.index_cast %add3A_653 : i32 to index
        %get3A_690 = arith.constant 80 : index
        %get3A_691 = tpu.vector_load %arg12[%get3A_689, %get3A_690] {strides = array<i32>} : memref<192x128xf32, #tpu.memory_space<vmem>>, vector<16xf32>,
        %get3A_692 = arith.index_cast %add3A_653 : i32 to index
        %get3A_693 = arith.constant 80 : index
        %get3A_694 = tpu.vector_load %arg13[%get3A_692, %get3A_693] {strides = array<i32>} : memref<192x128xf32, #tpu.memory_space<vmem>>, vector<16xf32>,
        %mul3A_695 = arith.mulf %get3A_691, %get3A_694 : vector<16xf32>
        %get3A_696 = arith.index_cast %add3A_653 : i32 to index
        %get3A_697 = arith.constant 96 : index
        %get3A_698 = tpu.vector_load %arg12[%get3A_696, %get3A_697] {strides = array<i32>} : memref<192x128xf32, #tpu.memory_space<vmem>>, vector<16xf32>,
        %get3A_699 = arith.index_cast %add3A_653 : i32 to index
        %get3A_700 = arith.constant 96 : index
        %get3A_701 = tpu.vector_load %arg13[%get3A_699, %get3A_700] {strides = array<i32>} : memref<192x128xf32, #tpu.memory_space<vmem>>, vector<16xf32>,
        %mul3A_702 = arith.mulf %get3A_698, %get3A_701 : vector<16xf32>
        %get3A_703 = arith.index_cast %add3A_653 : i32 to index
        %get3A_704 = arith.constant 112 : index
        %get3A_705 = tpu.vector_load %arg12[%get3A_703, %get3A_704] {strides = array<i32>} : memref<192x128xf32, #tpu.memory_space<vmem>>, vector<16xf32>,
        %get3A_706 = arith.index_cast %add3A_653 : i32 to index
        %get3A_707 = arith.constant 112 : index
        %get3A_708 = tpu.vector_load %arg13[%get3A_706, %get3A_707] {strides = array<i32>} : memref<192x128xf32, #tpu.memory_space<vmem>>, vector<16xf32>,
        %mul3A_709 = arith.mulf %get3A_705, %get3A_708 : vector<16xf32>
        %add3A_710 = arith.addf %mul3A_660, %mul3A_667 : vector<16xf32>
        %add3A_711 = arith.addf %mul3A_674, %mul3A_681 : vector<16xf32>
        %add3A_712 = arith.addf %mul3A_688, %mul3A_695 : vector<16xf32>
        %add3A_713 = arith.addf %mul3A_702, %mul3A_709 : vector<16xf32>
        %add3A_714 = arith.addf %add3A_710, %add3A_711 : vector<16xf32>
        %add3A_715 = arith.addf %add3A_712, %add3A_713 : vector<16xf32>
        %add3A_716 = arith.addf %add3A_714, %add3A_715 : vector<16xf32>
        %swap3A_717 = arith.constant 112 : index
        %swap3A_718 = tpu.vector_load %arg18[%swap3A_717] {strides = array<i32>} : memref<256xf32, #tpu.memory_space<vmem>>, vector<16xf32>,
        tpu.vector_store %arg18[%swap3A_717], %add3A_716 {strides = array<i32>} : memref<256xf32, #tpu.memory_space<vmem>>, vector<16xf32>,
        %mul3A_719 = arith.constant 16 : i32
        %mul3A_720 = arith.muli %scan3A_158, %mul3A_719 : i32
        %add3A_721 = arith.addi %mul3A_149, %mul3A_720 : i32
        %add3A_722 = arith.constant 8 : i32
        %add3A_723 = arith.addi %add3A_721, %add3A_722 : i32
        %get3A_724 = arith.index_cast %add3A_723 : i32 to index
        %get3A_725 = arith.constant 0 : index
        %get3A_726 = tpu.vector_load %arg12[%get3A_724, %get3A_725] {strides = array<i32>} : memref<192x128xf32, #tpu.memory_space<vmem>>, vector<16xf32>,
        %get3A_727 = arith.index_cast %add3A_723 : i32 to index
        %get3A_728 = arith.constant 0 : index
        %get3A_729 = tpu.vector_load %arg13[%get3A_727, %get3A_728] {strides = array<i32>} : memref<192x128xf32, #tpu.memory_space<vmem>>, vector<16xf32>,
        %mul3A_730 = arith.mulf %get3A_726, %get3A_729 : vector<16xf32>
        %get3A_731 = arith.index_cast %add3A_723 : i32 to index
        %get3A_732 = arith.constant 16 : index
        %get3A_733 = tpu.vector_load %arg12[%get3A_731, %get3A_732] {strides = array<i32>} : memref<192x128xf32, #tpu.memory_space<vmem>>, vector<16xf32>,
        %get3A_734 = arith.index_cast %add3A_723 : i32 to index
        %get3A_735 = arith.constant 16 : index
        %get3A_736 = tpu.vector_load %arg13[%get3A_734, %get3A_735] {strides = array<i32>} : memref<192x128xf32, #tpu.memory_space<vmem>>, vector<16xf32>,
        %mul3A_737 = arith.mulf %get3A_733, %get3A_736 : vector<16xf32>
        %get3A_738 = arith.index_cast %add3A_723 : i32 to index
        %get3A_739 = arith.constant 32 : index
        %get3A_740 = tpu.vector_load %arg12[%get3A_738, %get3A_739] {strides = array<i32>} : memref<192x128xf32, #tpu.memory_space<vmem>>, vector<16xf32>,
        %get3A_741 = arith.index_cast %add3A_723 : i32 to index
        %get3A_742 = arith.constant 32 : index
        %get3A_743 = tpu.vector_load %arg13[%get3A_741, %get3A_742] {strides = array<i32>} : memref<192x128xf32, #tpu.memory_space<vmem>>, vector<16xf32>,
        %mul3A_744 = arith.mulf %get3A_740, %get3A_743 : vector<16xf32>
        %get3A_745 = arith.index_cast %add3A_723 : i32 to index
        %get3A_746 = arith.constant 48 : index
        %get3A_747 = tpu.vector_load %arg12[%get3A_745, %get3A_746] {strides = array<i32>} : memref<192x128xf32, #tpu.memory_space<vmem>>, vector<16xf32>,
        %get3A_748 = arith.index_cast %add3A_723 : i32 to index
        %get3A_749 = arith.constant 48 : index
        %get3A_750 = tpu.vector_load %arg13[%get3A_748, %get3A_749] {strides = array<i32>} : memref<192x128xf32, #tpu.memory_space<vmem>>, vector<16xf32>,
        %mul3A_751 = arith.mulf %get3A_747, %get3A_750 : vector<16xf32>
        %get3A_752 = arith.index_cast %add3A_723 : i32 to index
        %get3A_753 = arith.constant 64 : index
        %get3A_754 = tpu.vector_load %arg12[%get3A_752, %get3A_753] {strides = array<i32>} : memref<192x128xf32, #tpu.memory_space<vmem>>, vector<16xf32>,
        %get3A_755 = arith.index_cast %add3A_723 : i32 to index
        %get3A_756 = arith.constant 64 : index
        %get3A_757 = tpu.vector_load %arg13[%get3A_755, %get3A_756] {strides = array<i32>} : memref<192x128xf32, #tpu.memory_space<vmem>>, vector<16xf32>,
        %mul3A_758 = arith.mulf %get3A_754, %get3A_757 : vector<16xf32>
        %get3A_759 = arith.index_cast %add3A_723 : i32 to index
        %get3A_760 = arith.constant 80 : index
        %get3A_761 = tpu.vector_load %arg12[%get3A_759, %get3A_760] {strides = array<i32>} : memref<192x128xf32, #tpu.memory_space<vmem>>, vector<16xf32>,
        %get3A_762 = arith.index_cast %add3A_723 : i32 to index
        %get3A_763 = arith.constant 80 : index
        %get3A_764 = tpu.vector_load %arg13[%get3A_762, %get3A_763] {strides = array<i32>} : memref<192x128xf32, #tpu.memory_space<vmem>>, vector<16xf32>,
        %mul3A_765 = arith.mulf %get3A_761, %get3A_764 : vector<16xf32>
        %get3A_766 = arith.index_cast %add3A_723 : i32 to index
        %get3A_767 = arith.constant 96 : index
        %get3A_768 = tpu.vector_load %arg12[%get3A_766, %get3A_767] {strides = array<i32>} : memref<192x128xf32, #tpu.memory_space<vmem>>, vector<16xf32>,
        %get3A_769 = arith.index_cast %add3A_723 : i32 to index
        %get3A_770 = arith.constant 96 : index
        %get3A_771 = tpu.vector_load %arg13[%get3A_769, %get3A_770] {strides = array<i32>} : memref<192x128xf32, #tpu.memory_space<vmem>>, vector<16xf32>,
        %mul3A_772 = arith.mulf %get3A_768, %get3A_771 : vector<16xf32>
        %get3A_773 = arith.index_cast %add3A_723 : i32 to index
        %get3A_774 = arith.constant 112 : index
        %get3A_775 = tpu.vector_load %arg12[%get3A_773, %get3A_774] {strides = array<i32>} : memref<192x128xf32, #tpu.memory_space<vmem>>, vector<16xf32>,
        %get3A_776 = arith.index_cast %add3A_723 : i32 to index
        %get3A_777 = arith.constant 112 : index
        %get3A_778 = tpu.vector_load %arg13[%get3A_776, %get3A_777] {strides = array<i32>} : memref<192x128xf32, #tpu.memory_space<vmem>>, vector<16xf32>,
        %mul3A_779 = arith.mulf %get3A_775, %get3A_778 : vector<16xf32>
        %add3A_780 = arith.addf %mul3A_730, %mul3A_737 : vector<16xf32>
        %add3A_781 = arith.addf %mul3A_744, %mul3A_751 : vector<16xf32>
        %add3A_782 = arith.addf %mul3A_758, %mul3A_765 : vector<16xf32>
        %add3A_783 = arith.addf %mul3A_772, %mul3A_779 : vector<16xf32>
        %add3A_784 = arith.addf %add3A_780, %add3A_781 : vector<16xf32>
        %add3A_785 = arith.addf %add3A_782, %add3A_783 : vector<16xf32>
        %add3A_786 = arith.addf %add3A_784, %add3A_785 : vector<16xf32>
        %swap3A_787 = arith.constant 128 : index
        %swap3A_788 = tpu.vector_load %arg18[%swap3A_787] {strides = array<i32>} : memref<256xf32, #tpu.memory_space<vmem>>, vector<16xf32>,
        tpu.vector_store %arg18[%swap3A_787], %add3A_786 {strides = array<i32>} : memref<256xf32, #tpu.memory_space<vmem>>, vector<16xf32>,
        %mul3A_789 = arith.constant 16 : i32
        %mul3A_790 = arith.muli %scan3A_158, %mul3A_789 : i32
        %add3A_791 = arith.addi %mul3A_149, %mul3A_790 : i32
        %add3A_792 = arith.constant 9 : i32
        %add3A_793 = arith.addi %add3A_791, %add3A_792 : i32
        %get3A_794 = arith.index_cast %add3A_793 : i32 to index
        %get3A_795 = arith.constant 0 : index
        %get3A_796 = tpu.vector_load %arg12[%get3A_794, %get3A_795] {strides = array<i32>} : memref<192x128xf32, #tpu.memory_space<vmem>>, vector<16xf32>,
        %get3A_797 = arith.index_cast %add3A_793 : i32 to index
        %get3A_798 = arith.constant 0 : index
        %get3A_799 = tpu.vector_load %arg13[%get3A_797, %get3A_798] {strides = array<i32>} : memref<192x128xf32, #tpu.memory_space<vmem>>, vector<16xf32>,
        %mul3A_800 = arith.mulf %get3A_796, %get3A_799 : vector<16xf32>
        %get3A_801 = arith.index_cast %add3A_793 : i32 to index
        %get3A_802 = arith.constant 16 : index
        %get3A_803 = tpu.vector_load %arg12[%get3A_801, %get3A_802] {strides = array<i32>} : memref<192x128xf32, #tpu.memory_space<vmem>>, vector<16xf32>,
        %get3A_804 = arith.index_cast %add3A_793 : i32 to index
        %get3A_805 = arith.constant 16 : index
        %get3A_806 = tpu.vector_load %arg13[%get3A_804, %get3A_805] {strides = array<i32>} : memref<192x128xf32, #tpu.memory_space<vmem>>, vector<16xf32>,
        %mul3A_807 = arith.mulf %get3A_803, %get3A_806 : vector<16xf32>
        %get3A_808 = arith.index_cast %add3A_793 : i32 to index
        %get3A_809 = arith.constant 32 : index
        %get3A_810 = tpu.vector_load %arg12[%get3A_808, %get3A_809] {strides = array<i32>} : memref<192x128xf32, #tpu.memory_space<vmem>>, vector<16xf32>,
        %get3A_811 = arith.index_cast %add3A_793 : i32 to index
        %get3A_812 = arith.constant 32 : index
        %get3A_813 = tpu.vector_load %arg13[%get3A_811, %get3A_812] {strides = array<i32>} : memref<192x128xf32, #tpu.memory_space<vmem>>, vector<16xf32>,
        %mul3A_814 = arith.mulf %get3A_810, %get3A_813 : vector<16xf32>
        %get3A_815 = arith.index_cast %add3A_793 : i32 to index
        %get3A_816 = arith.constant 48 : index
        %get3A_817 = tpu.vector_load %arg12[%get3A_815, %get3A_816] {strides = array<i32>} : memref<192x128xf32, #tpu.memory_space<vmem>>, vector<16xf32>,
        %get3A_818 = arith.index_cast %add3A_793 : i32 to index
        %get3A_819 = arith.constant 48 : index
        %get3A_820 = tpu.vector_load %arg13[%get3A_818, %get3A_819] {strides = array<i32>} : memref<192x128xf32, #tpu.memory_space<vmem>>, vector<16xf32>,
        %mul3A_821 = arith.mulf %get3A_817, %get3A_820 : vector<16xf32>
        %get3A_822 = arith.index_cast %add3A_793 : i32 to index
        %get3A_823 = arith.constant 64 : index
        %get3A_824 = tpu.vector_load %arg12[%get3A_822, %get3A_823] {strides = array<i32>} : memref<192x128xf32, #tpu.memory_space<vmem>>, vector<16xf32>,
        %get3A_825 = arith.index_cast %add3A_793 : i32 to index
        %get3A_826 = arith.constant 64 : index
        %get3A_827 = tpu.vector_load %arg13[%get3A_825, %get3A_826] {strides = array<i32>} : memref<192x128xf32, #tpu.memory_space<vmem>>, vector<16xf32>,
        %mul3A_828 = arith.mulf %get3A_824, %get3A_827 : vector<16xf32>
        %get3A_829 = arith.index_cast %add3A_793 : i32 to index
        %get3A_830 = arith.constant 80 : index
        %get3A_831 = tpu.vector_load %arg12[%get3A_829, %get3A_830] {strides = array<i32>} : memref<192x128xf32, #tpu.memory_space<vmem>>, vector<16xf32>,
        %get3A_832 = arith.index_cast %add3A_793 : i32 to index
        %get3A_833 = arith.constant 80 : index
        %get3A_834 = tpu.vector_load %arg13[%get3A_832, %get3A_833] {strides = array<i32>} : memref<192x128xf32, #tpu.memory_space<vmem>>, vector<16xf32>,
        %mul3A_835 = arith.mulf %get3A_831, %get3A_834 : vector<16xf32>
        %get3A_836 = arith.index_cast %add3A_793 : i32 to index
        %get3A_837 = arith.constant 96 : index
        %get3A_838 = tpu.vector_load %arg12[%get3A_836, %get3A_837] {strides = array<i32>} : memref<192x128xf32, #tpu.memory_space<vmem>>, vector<16xf32>,
        %get3A_839 = arith.index_cast %add3A_793 : i32 to index
        %get3A_840 = arith.constant 96 : index
        %get3A_841 = tpu.vector_load %arg13[%get3A_839, %get3A_840] {strides = array<i32>} : memref<192x128xf32, #tpu.memory_space<vmem>>, vector<16xf32>,
        %mul3A_842 = arith.mulf %get3A_838, %get3A_841 : vector<16xf32>
        %get3A_843 = arith.index_cast %add3A_793 : i32 to index
        %get3A_844 = arith.constant 112 : index
        %get3A_845 = tpu.vector_load %arg12[%get3A_843, %get3A_844] {strides = array<i32>} : memref<192x128xf32, #tpu.memory_space<vmem>>, vector<16xf32>,
        %get3A_846 = arith.index_cast %add3A_793 : i32 to index
        %get3A_847 = arith.constant 112 : index
        %get3A_848 = tpu.vector_load %arg13[%get3A_846, %get3A_847] {strides = array<i32>} : memref<192x128xf32, #tpu.memory_space<vmem>>, vector<16xf32>,
        %mul3A_849 = arith.mulf %get3A_845, %get3A_848 : vector<16xf32>
        %add3A_850 = arith.addf %mul3A_800, %mul3A_807 : vector<16xf32>
        %add3A_851 = arith.addf %mul3A_814, %mul3A_821 : vector<16xf32>
        %add3A_852 = arith.addf %mul3A_828, %mul3A_835 : vector<16xf32>
        %add3A_853 = arith.addf %mul3A_842, %mul3A_849 : vector<16xf32>
        %add3A_854 = arith.addf %add3A_850, %add3A_851 : vector<16xf32>
        %add3A_855 = arith.addf %add3A_852, %add3A_853 : vector<16xf32>
        %add3A_856 = arith.addf %add3A_854, %add3A_855 : vector<16xf32>
        %swap3A_857 = arith.constant 144 : index
        %swap3A_858 = tpu.vector_load %arg18[%swap3A_857] {strides = array<i32>} : memref<256xf32, #tpu.memory_space<vmem>>, vector<16xf32>,
        tpu.vector_store %arg18[%swap3A_857], %add3A_856 {strides = array<i32>} : memref<256xf32, #tpu.memory_space<vmem>>, vector<16xf32>,
        %mul3A_859 = arith.constant 16 : i32
        %mul3A_860 = arith.muli %scan3A_158, %mul3A_859 : i32
        %add3A_861 = arith.addi %mul3A_149, %mul3A_860 : i32
        %add3A_862 = arith.constant 10 : i32
        %add3A_863 = arith.addi %add3A_861, %add3A_862 : i32
        %get3A_864 = arith.index_cast %add3A_863 : i32 to index
        %get3A_865 = arith.constant 0 : index
        %get3A_866 = tpu.vector_load %arg12[%get3A_864, %get3A_865] {strides = array<i32>} : memref<192x128xf32, #tpu.memory_space<vmem>>, vector<16xf32>,
        %get3A_867 = arith.index_cast %add3A_863 : i32 to index
        %get3A_868 = arith.constant 0 : index
        %get3A_869 = tpu.vector_load %arg13[%get3A_867, %get3A_868] {strides = array<i32>} : memref<192x128xf32, #tpu.memory_space<vmem>>, vector<16xf32>,
        %mul3A_870 = arith.mulf %get3A_866, %get3A_869 : vector<16xf32>
        %get3A_871 = arith.index_cast %add3A_863 : i32 to index
        %get3A_872 = arith.constant 16 : index
        %get3A_873 = tpu.vector_load %arg12[%get3A_871, %get3A_872] {strides = array<i32>} : memref<192x128xf32, #tpu.memory_space<vmem>>, vector<16xf32>,
        %get3A_874 = arith.index_cast %add3A_863 : i32 to index
        %get3A_875 = arith.constant 16 : index
        %get3A_876 = tpu.vector_load %arg13[%get3A_874, %get3A_875] {strides = array<i32>} : memref<192x128xf32, #tpu.memory_space<vmem>>, vector<16xf32>,
        %mul3A_877 = arith.mulf %get3A_873, %get3A_876 : vector<16xf32>
        %get3A_878 = arith.index_cast %add3A_863 : i32 to index
        %get3A_879 = arith.constant 32 : index
        %get3A_880 = tpu.vector_load %arg12[%get3A_878, %get3A_879] {strides = array<i32>} : memref<192x128xf32, #tpu.memory_space<vmem>>, vector<16xf32>,
        %get3A_881 = arith.index_cast %add3A_863 : i32 to index
        %get3A_882 = arith.constant 32 : index
        %get3A_883 = tpu.vector_load %arg13[%get3A_881, %get3A_882] {strides = array<i32>} : memref<192x128xf32, #tpu.memory_space<vmem>>, vector<16xf32>,
        %mul3A_884 = arith.mulf %get3A_880, %get3A_883 : vector<16xf32>
        %get3A_885 = arith.index_cast %add3A_863 : i32 to index
        %get3A_886 = arith.constant 48 : index
        %get3A_887 = tpu.vector_load %arg12[%get3A_885, %get3A_886] {strides = array<i32>} : memref<192x128xf32, #tpu.memory_space<vmem>>, vector<16xf32>,
        %get3A_888 = arith.index_cast %add3A_863 : i32 to index
        %get3A_889 = arith.constant 48 : index
        %get3A_890 = tpu.vector_load %arg13[%get3A_888, %get3A_889] {strides = array<i32>} : memref<192x128xf32, #tpu.memory_space<vmem>>, vector<16xf32>,
        %mul3A_891 = arith.mulf %get3A_887, %get3A_890 : vector<16xf32>
        %get3A_892 = arith.index_cast %add3A_863 : i32 to index
        %get3A_893 = arith.constant 64 : index
        %get3A_894 = tpu.vector_load %arg12[%get3A_892, %get3A_893] {strides = array<i32>} : memref<192x128xf32, #tpu.memory_space<vmem>>, vector<16xf32>,
        %get3A_895 = arith.index_cast %add3A_863 : i32 to index
        %get3A_896 = arith.constant 64 : index
        %get3A_897 = tpu.vector_load %arg13[%get3A_895, %get3A_896] {strides = array<i32>} : memref<192x128xf32, #tpu.memory_space<vmem>>, vector<16xf32>,
        %mul3A_898 = arith.mulf %get3A_894, %get3A_897 : vector<16xf32>
        %get3A_899 = arith.index_cast %add3A_863 : i32 to index
        %get3A_900 = arith.constant 80 : index
        %get3A_901 = tpu.vector_load %arg12[%get3A_899, %get3A_900] {strides = array<i32>} : memref<192x128xf32, #tpu.memory_space<vmem>>, vector<16xf32>,
        %get3A_902 = arith.index_cast %add3A_863 : i32 to index
        %get3A_903 = arith.constant 80 : index
        %get3A_904 = tpu.vector_load %arg13[%get3A_902, %get3A_903] {strides = array<i32>} : memref<192x128xf32, #tpu.memory_space<vmem>>, vector<16xf32>,
        %mul3A_905 = arith.mulf %get3A_901, %get3A_904 : vector<16xf32>
        %get3A_906 = arith.index_cast %add3A_863 : i32 to index
        %get3A_907 = arith.constant 96 : index
        %get3A_908 = tpu.vector_load %arg12[%get3A_906, %get3A_907] {strides = array<i32>} : memref<192x128xf32, #tpu.memory_space<vmem>>, vector<16xf32>,
        %get3A_909 = arith.index_cast %add3A_863 : i32 to index
        %get3A_910 = arith.constant 96 : index
        %get3A_911 = tpu.vector_load %arg13[%get3A_909, %get3A_910] {strides = array<i32>} : memref<192x128xf32, #tpu.memory_space<vmem>>, vector<16xf32>,
        %mul3A_912 = arith.mulf %get3A_908, %get3A_911 : vector<16xf32>
        %get3A_913 = arith.index_cast %add3A_863 : i32 to index
        %get3A_914 = arith.constant 112 : index
        %get3A_915 = tpu.vector_load %arg12[%get3A_913, %get3A_914] {strides = array<i32>} : memref<192x128xf32, #tpu.memory_space<vmem>>, vector<16xf32>,
        %get3A_916 = arith.index_cast %add3A_863 : i32 to index
        %get3A_917 = arith.constant 112 : index
        %get3A_918 = tpu.vector_load %arg13[%get3A_916, %get3A_917] {strides = array<i32>} : memref<192x128xf32, #tpu.memory_space<vmem>>, vector<16xf32>,
        %mul3A_919 = arith.mulf %get3A_915, %get3A_918 : vector<16xf32>
        %add3A_920 = arith.addf %mul3A_870, %mul3A_877 : vector<16xf32>
        %add3A_921 = arith.addf %mul3A_884, %mul3A_891 : vector<16xf32>
        %add3A_922 = arith.addf %mul3A_898, %mul3A_905 : vector<16xf32>
        %add3A_923 = arith.addf %mul3A_912, %mul3A_919 : vector<16xf32>
        %add3A_924 = arith.addf %add3A_920, %add3A_921 : vector<16xf32>
        %add3A_925 = arith.addf %add3A_922, %add3A_923 : vector<16xf32>
        %add3A_926 = arith.addf %add3A_924, %add3A_925 : vector<16xf32>
        %swap3A_927 = arith.constant 160 : index
        %swap3A_928 = tpu.vector_load %arg18[%swap3A_927] {strides = array<i32>} : memref<256xf32, #tpu.memory_space<vmem>>, vector<16xf32>,
        tpu.vector_store %arg18[%swap3A_927], %add3A_926 {strides = array<i32>} : memref<256xf32, #tpu.memory_space<vmem>>, vector<16xf32>,
        %mul3A_929 = arith.constant 16 : i32
        %mul3A_930 = arith.muli %scan3A_158, %mul3A_929 : i32
        %add3A_931 = arith.addi %mul3A_149, %mul3A_930 : i32
        %add3A_932 = arith.constant 11 : i32
        %add3A_933 = arith.addi %add3A_931, %add3A_932 : i32
        %get3A_934 = arith.index_cast %add3A_933 : i32 to index
        %get3A_935 = arith.constant 0 : index
        %get3A_936 = tpu.vector_load %arg12[%get3A_934, %get3A_935] {strides = array<i32>} : memref<192x128xf32, #tpu.memory_space<vmem>>, vector<16xf32>,
        %get3A_937 = arith.index_cast %add3A_933 : i32 to index
        %get3A_938 = arith.constant 0 : index
        %get3A_939 = tpu.vector_load %arg13[%get3A_937, %get3A_938] {strides = array<i32>} : memref<192x128xf32, #tpu.memory_space<vmem>>, vector<16xf32>,
        %mul3A_940 = arith.mulf %get3A_936, %get3A_939 : vector<16xf32>
        %get3A_941 = arith.index_cast %add3A_933 : i32 to index
        %get3A_942 = arith.constant 16 : index
        %get3A_943 = tpu.vector_load %arg12[%get3A_941, %get3A_942] {strides = array<i32>} : memref<192x128xf32, #tpu.memory_space<vmem>>, vector<16xf32>,
        %get3A_944 = arith.index_cast %add3A_933 : i32 to index
        %get3A_945 = arith.constant 16 : index
        %get3A_946 = tpu.vector_load %arg13[%get3A_944, %get3A_945] {strides = array<i32>} : memref<192x128xf32, #tpu.memory_space<vmem>>, vector<16xf32>,
        %mul3A_947 = arith.mulf %get3A_943, %get3A_946 : vector<16xf32>
        %get3A_948 = arith.index_cast %add3A_933 : i32 to index
        %get3A_949 = arith.constant 32 : index
        %get3A_950 = tpu.vector_load %arg12[%get3A_948, %get3A_949] {strides = array<i32>} : memref<192x128xf32, #tpu.memory_space<vmem>>, vector<16xf32>,
        %get3A_951 = arith.index_cast %add3A_933 : i32 to index
        %get3A_952 = arith.constant 32 : index
        %get3A_953 = tpu.vector_load %arg13[%get3A_951, %get3A_952] {strides = array<i32>} : memref<192x128xf32, #tpu.memory_space<vmem>>, vector<16xf32>,
        %mul3A_954 = arith.mulf %get3A_950, %get3A_953 : vector<16xf32>
        %get3A_955 = arith.index_cast %add3A_933 : i32 to index
        %get3A_956 = arith.constant 48 : index
        %get3A_957 = tpu.vector_load %arg12[%get3A_955, %get3A_956] {strides = array<i32>} : memref<192x128xf32, #tpu.memory_space<vmem>>, vector<16xf32>,
        %get3A_958 = arith.index_cast %add3A_933 : i32 to index
        %get3A_959 = arith.constant 48 : index
        %get3A_960 = tpu.vector_load %arg13[%get3A_958, %get3A_959] {strides = array<i32>} : memref<192x128xf32, #tpu.memory_space<vmem>>, vector<16xf32>,
        %mul3A_961 = arith.mulf %get3A_957, %get3A_960 : vector<16xf32>
        %get3A_962 = arith.index_cast %add3A_933 : i32 to index
        %get3A_963 = arith.constant 64 : index
        %get3A_964 = tpu.vector_load %arg12[%get3A_962, %get3A_963] {strides = array<i32>} : memref<192x128xf32, #tpu.memory_space<vmem>>, vector<16xf32>,
        %get3A_965 = arith.index_cast %add3A_933 : i32 to index
        %get3A_966 = arith.constant 64 : index
        %get3A_967 = tpu.vector_load %arg13[%get3A_965, %get3A_966] {strides = array<i32>} : memref<192x128xf32, #tpu.memory_space<vmem>>, vector<16xf32>,
        %mul3A_968 = arith.mulf %get3A_964, %get3A_967 : vector<16xf32>
        %get3A_969 = arith.index_cast %add3A_933 : i32 to index
        %get3A_970 = arith.constant 80 : index
        %get3A_971 = tpu.vector_load %arg12[%get3A_969, %get3A_970] {strides = array<i32>} : memref<192x128xf32, #tpu.memory_space<vmem>>, vector<16xf32>,
        %get3A_972 = arith.index_cast %add3A_933 : i32 to index
        %get3A_973 = arith.constant 80 : index
        %get3A_974 = tpu.vector_load %arg13[%get3A_972, %get3A_973] {strides = array<i32>} : memref<192x128xf32, #tpu.memory_space<vmem>>, vector<16xf32>,
        %mul3A_975 = arith.mulf %get3A_971, %get3A_974 : vector<16xf32>
        %get3A_976 = arith.index_cast %add3A_933 : i32 to index
        %get3A_977 = arith.constant 96 : index
        %get3A_978 = tpu.vector_load %arg12[%get3A_976, %get3A_977] {strides = array<i32>} : memref<192x128xf32, #tpu.memory_space<vmem>>, vector<16xf32>,
        %get3A_979 = arith.index_cast %add3A_933 : i32 to index
        %get3A_980 = arith.constant 96 : index
        %get3A_981 = tpu.vector_load %arg13[%get3A_979, %get3A_980] {strides = array<i32>} : memref<192x128xf32, #tpu.memory_space<vmem>>, vector<16xf32>,
        %mul3A_982 = arith.mulf %get3A_978, %get3A_981 : vector<16xf32>
        %get3A_983 = arith.index_cast %add3A_933 : i32 to index
        %get3A_984 = arith.constant 112 : index
        %get3A_985 = tpu.vector_load %arg12[%get3A_983, %get3A_984] {strides = array<i32>} : memref<192x128xf32, #tpu.memory_space<vmem>>, vector<16xf32>,
        %get3A_986 = arith.index_cast %add3A_933 : i32 to index
        %get3A_987 = arith.constant 112 : index
        %get3A_988 = tpu.vector_load %arg13[%get3A_986, %get3A_987] {strides = array<i32>} : memref<192x128xf32, #tpu.memory_space<vmem>>, vector<16xf32>,
        %mul3A_989 = arith.mulf %get3A_985, %get3A_988 : vector<16xf32>
        %add3A_990 = arith.addf %mul3A_940, %mul3A_947 : vector<16xf32>
        %add3A_991 = arith.addf %mul3A_954, %mul3A_961 : vector<16xf32>
        %add3A_992 = arith.addf %mul3A_968, %mul3A_975 : vector<16xf32>
        %add3A_993 = arith.addf %mul3A_982, %mul3A_989 : vector<16xf32>
        %add3A_994 = arith.addf %add3A_990, %add3A_991 : vector<16xf32>
        %add3A_995 = arith.addf %add3A_992, %add3A_993 : vector<16xf32>
        %add3A_996 = arith.addf %add3A_994, %add3A_995 : vector<16xf32>
        %swap3A_997 = arith.constant 176 : index
        %swap3A_998 = tpu.vector_load %arg18[%swap3A_997] {strides = array<i32>} : memref<256xf32, #tpu.memory_space<vmem>>, vector<16xf32>,
        tpu.vector_store %arg18[%swap3A_997], %add3A_996 {strides = array<i32>} : memref<256xf32, #tpu.memory_space<vmem>>, vector<16xf32>,
        %mul3A_999 = arith.constant 16 : i32
        %mul3A_1000 = arith.muli %scan3A_158, %mul3A_999 : i32
        %add3A_1001 = arith.addi %mul3A_149, %mul3A_1000 : i32
        %add3A_1002 = arith.constant 12 : i32
        %add3A_1003 = arith.addi %add3A_1001, %add3A_1002 : i32
        %get3A_1004 = arith.index_cast %add3A_1003 : i32 to index
        %get3A_1005 = arith.constant 0 : index
        %get3A_1006 = tpu.vector_load %arg12[%get3A_1004, %get3A_1005] {strides = array<i32>} : memref<192x128xf32, #tpu.memory_space<vmem>>, vector<16xf32>,
        %get3A_1007 = arith.index_cast %add3A_1003 : i32 to index
        %get3A_1008 = arith.constant 0 : index
        %get3A_1009 = tpu.vector_load %arg13[%get3A_1007, %get3A_1008] {strides = array<i32>} : memref<192x128xf32, #tpu.memory_space<vmem>>, vector<16xf32>,
        %mul3A_1010 = arith.mulf %get3A_1006, %get3A_1009 : vector<16xf32>
        %get3A_1011 = arith.index_cast %add3A_1003 : i32 to index
        %get3A_1012 = arith.constant 16 : index
        %get3A_1013 = tpu.vector_load %arg12[%get3A_1011, %get3A_1012] {strides = array<i32>} : memref<192x128xf32, #tpu.memory_space<vmem>>, vector<16xf32>,
        %get3A_1014 = arith.index_cast %add3A_1003 : i32 to index
        %get3A_1015 = arith.constant 16 : index
        %get3A_1016 = tpu.vector_load %arg13[%get3A_1014, %get3A_1015] {strides = array<i32>} : memref<192x128xf32, #tpu.memory_space<vmem>>, vector<16xf32>,
        %mul3A_1017 = arith.mulf %get3A_1013, %get3A_1016 : vector<16xf32>
        %get3A_1018 = arith.index_cast %add3A_1003 : i32 to index
        %get3A_1019 = arith.constant 32 : index
        %get3A_1020 = tpu.vector_load %arg12[%get3A_1018, %get3A_1019] {strides = array<i32>} : memref<192x128xf32, #tpu.memory_space<vmem>>, vector<16xf32>,
        %get3A_1021 = arith.index_cast %add3A_1003 : i32 to index
        %get3A_1022 = arith.constant 32 : index
        %get3A_1023 = tpu.vector_load %arg13[%get3A_1021, %get3A_1022] {strides = array<i32>} : memref<192x128xf32, #tpu.memory_space<vmem>>, vector<16xf32>,
        %mul3A_1024 = arith.mulf %get3A_1020, %get3A_1023 : vector<16xf32>
        %get3A_1025 = arith.index_cast %add3A_1003 : i32 to index
        %get3A_1026 = arith.constant 48 : index
        %get3A_1027 = tpu.vector_load %arg12[%get3A_1025, %get3A_1026] {strides = array<i32>} : memref<192x128xf32, #tpu.memory_space<vmem>>, vector<16xf32>,
        %get3A_1028 = arith.index_cast %add3A_1003 : i32 to index
        %get3A_1029 = arith.constant 48 : index
        %get3A_1030 = tpu.vector_load %arg13[%get3A_1028, %get3A_1029] {strides = array<i32>} : memref<192x128xf32, #tpu.memory_space<vmem>>, vector<16xf32>,
        %mul3A_1031 = arith.mulf %get3A_1027, %get3A_1030 : vector<16xf32>
        %get3A_1032 = arith.index_cast %add3A_1003 : i32 to index
        %get3A_1033 = arith.constant 64 : index
        %get3A_1034 = tpu.vector_load %arg12[%get3A_1032, %get3A_1033] {strides = array<i32>} : memref<192x128xf32, #tpu.memory_space<vmem>>, vector<16xf32>,
        %get3A_1035 = arith.index_cast %add3A_1003 : i32 to index
        %get3A_1036 = arith.constant 64 : index
        %get3A_1037 = tpu.vector_load %arg13[%get3A_1035, %get3A_1036] {strides = array<i32>} : memref<192x128xf32, #tpu.memory_space<vmem>>, vector<16xf32>,
        %mul3A_1038 = arith.mulf %get3A_1034, %get3A_1037 : vector<16xf32>
        %get3A_1039 = arith.index_cast %add3A_1003 : i32 to index
        %get3A_1040 = arith.constant 80 : index
        %get3A_1041 = tpu.vector_load %arg12[%get3A_1039, %get3A_1040] {strides = array<i32>} : memref<192x128xf32, #tpu.memory_space<vmem>>, vector<16xf32>,
        %get3A_1042 = arith.index_cast %add3A_1003 : i32 to index
        %get3A_1043 = arith.constant 80 : index
        %get3A_1044 = tpu.vector_load %arg13[%get3A_1042, %get3A_1043] {strides = array<i32>} : memref<192x128xf32, #tpu.memory_space<vmem>>, vector<16xf32>,
        %mul3A_1045 = arith.mulf %get3A_1041, %get3A_1044 : vector<16xf32>
        %get3A_1046 = arith.index_cast %add3A_1003 : i32 to index
        %get3A_1047 = arith.constant 96 : index
        %get3A_1048 = tpu.vector_load %arg12[%get3A_1046, %get3A_1047] {strides = array<i32>} : memref<192x128xf32, #tpu.memory_space<vmem>>, vector<16xf32>,
        %get3A_1049 = arith.index_cast %add3A_1003 : i32 to index
        %get3A_1050 = arith.constant 96 : index
        %get3A_1051 = tpu.vector_load %arg13[%get3A_1049, %get3A_1050] {strides = array<i32>} : memref<192x128xf32, #tpu.memory_space<vmem>>, vector<16xf32>,
        %mul3A_1052 = arith.mulf %get3A_1048, %get3A_1051 : vector<16xf32>
        %get3A_1053 = arith.index_cast %add3A_1003 : i32 to index
        %get3A_1054 = arith.constant 112 : index
        %get3A_1055 = tpu.vector_load %arg12[%get3A_1053, %get3A_1054] {strides = array<i32>} : memref<192x128xf32, #tpu.memory_space<vmem>>, vector<16xf32>,
        %get3A_1056 = arith.index_cast %add3A_1003 : i32 to index
        %get3A_1057 = arith.constant 112 : index
        %get3A_1058 = tpu.vector_load %arg13[%get3A_1056, %get3A_1057] {strides = array<i32>} : memref<192x128xf32, #tpu.memory_space<vmem>>, vector<16xf32>,
        %mul3A_1059 = arith.mulf %get3A_1055, %get3A_1058 : vector<16xf32>
        %add3A_1060 = arith.addf %mul3A_1010, %mul3A_1017 : vector<16xf32>
        %add3A_1061 = arith.addf %mul3A_1024, %mul3A_1031 : vector<16xf32>
        %add3A_1062 = arith.addf %mul3A_1038, %mul3A_1045 : vector<16xf32>
        %add3A_1063 = arith.addf %mul3A_1052, %mul3A_1059 : vector<16xf32>
        %add3A_1064 = arith.addf %add3A_1060, %add3A_1061 : vector<16xf32>
        %add3A_1065 = arith.addf %add3A_1062, %add3A_1063 : vector<16xf32>
        %add3A_1066 = arith.addf %add3A_1064, %add3A_1065 : vector<16xf32>
        %swap3A_1067 = arith.constant 192 : index
        %swap3A_1068 = tpu.vector_load %arg18[%swap3A_1067] {strides = array<i32>} : memref<256xf32, #tpu.memory_space<vmem>>, vector<16xf32>,
        tpu.vector_store %arg18[%swap3A_1067], %add3A_1066 {strides = array<i32>} : memref<256xf32, #tpu.memory_space<vmem>>, vector<16xf32>,
        %mul3A_1069 = arith.constant 16 : i32
        %mul3A_1070 = arith.muli %scan3A_158, %mul3A_1069 : i32
        %add3A_1071 = arith.addi %mul3A_149, %mul3A_1070 : i32
        %add3A_1072 = arith.constant 13 : i32
        %add3A_1073 = arith.addi %add3A_1071, %add3A_1072 : i32
        %get3A_1074 = arith.index_cast %add3A_1073 : i32 to index
        %get3A_1075 = arith.constant 0 : index
        %get3A_1076 = tpu.vector_load %arg12[%get3A_1074, %get3A_1075] {strides = array<i32>} : memref<192x128xf32, #tpu.memory_space<vmem>>, vector<16xf32>,
        %get3A_1077 = arith.index_cast %add3A_1073 : i32 to index
        %get3A_1078 = arith.constant 0 : index
        %get3A_1079 = tpu.vector_load %arg13[%get3A_1077, %get3A_1078] {strides = array<i32>} : memref<192x128xf32, #tpu.memory_space<vmem>>, vector<16xf32>,
        %mul3A_1080 = arith.mulf %get3A_1076, %get3A_1079 : vector<16xf32>
        %get3A_1081 = arith.index_cast %add3A_1073 : i32 to index
        %get3A_1082 = arith.constant 16 : index
        %get3A_1083 = tpu.vector_load %arg12[%get3A_1081, %get3A_1082] {strides = array<i32>} : memref<192x128xf32, #tpu.memory_space<vmem>>, vector<16xf32>,
        %get3A_1084 = arith.index_cast %add3A_1073 : i32 to index
        %get3A_1085 = arith.constant 16 : index
        %get3A_1086 = tpu.vector_load %arg13[%get3A_1084, %get3A_1085] {strides = array<i32>} : memref<192x128xf32, #tpu.memory_space<vmem>>, vector<16xf32>,
        %mul3A_1087 = arith.mulf %get3A_1083, %get3A_1086 : vector<16xf32>
        %get3A_1088 = arith.index_cast %add3A_1073 : i32 to index
        %get3A_1089 = arith.constant 32 : index
        %get3A_1090 = tpu.vector_load %arg12[%get3A_1088, %get3A_1089] {strides = array<i32>} : memref<192x128xf32, #tpu.memory_space<vmem>>, vector<16xf32>,
        %get3A_1091 = arith.index_cast %add3A_1073 : i32 to index
        %get3A_1092 = arith.constant 32 : index
        %get3A_1093 = tpu.vector_load %arg13[%get3A_1091, %get3A_1092] {strides = array<i32>} : memref<192x128xf32, #tpu.memory_space<vmem>>, vector<16xf32>,
        %mul3A_1094 = arith.mulf %get3A_1090, %get3A_1093 : vector<16xf32>
        %get3A_1095 = arith.index_cast %add3A_1073 : i32 to index
        %get3A_1096 = arith.constant 48 : index
        %get3A_1097 = tpu.vector_load %arg12[%get3A_1095, %get3A_1096] {strides = array<i32>} : memref<192x128xf32, #tpu.memory_space<vmem>>, vector<16xf32>,
        %get3A_1098 = arith.index_cast %add3A_1073 : i32 to index
        %get3A_1099 = arith.constant 48 : index
        %get3A_1100 = tpu.vector_load %arg13[%get3A_1098, %get3A_1099] {strides = array<i32>} : memref<192x128xf32, #tpu.memory_space<vmem>>, vector<16xf32>,
        %mul3A_1101 = arith.mulf %get3A_1097, %get3A_1100 : vector<16xf32>
        %get3A_1102 = arith.index_cast %add3A_1073 : i32 to index
        %get3A_1103 = arith.constant 64 : index
        %get3A_1104 = tpu.vector_load %arg12[%get3A_1102, %get3A_1103] {strides = array<i32>} : memref<192x128xf32, #tpu.memory_space<vmem>>, vector<16xf32>,
        %get3A_1105 = arith.index_cast %add3A_1073 : i32 to index
        %get3A_1106 = arith.constant 64 : index
        %get3A_1107 = tpu.vector_load %arg13[%get3A_1105, %get3A_1106] {strides = array<i32>} : memref<192x128xf32, #tpu.memory_space<vmem>>, vector<16xf32>,
        %mul3A_1108 = arith.mulf %get3A_1104, %get3A_1107 : vector<16xf32>
        %get3A_1109 = arith.index_cast %add3A_1073 : i32 to index
        %get3A_1110 = arith.constant 80 : index
        %get3A_1111 = tpu.vector_load %arg12[%get3A_1109, %get3A_1110] {strides = array<i32>} : memref<192x128xf32, #tpu.memory_space<vmem>>, vector<16xf32>,
        %get3A_1112 = arith.index_cast %add3A_1073 : i32 to index
        %get3A_1113 = arith.constant 80 : index
        %get3A_1114 = tpu.vector_load %arg13[%get3A_1112, %get3A_1113] {strides = array<i32>} : memref<192x128xf32, #tpu.memory_space<vmem>>, vector<16xf32>,
        %mul3A_1115 = arith.mulf %get3A_1111, %get3A_1114 : vector<16xf32>
        %get3A_1116 = arith.index_cast %add3A_1073 : i32 to index
        %get3A_1117 = arith.constant 96 : index
        %get3A_1118 = tpu.vector_load %arg12[%get3A_1116, %get3A_1117] {strides = array<i32>} : memref<192x128xf32, #tpu.memory_space<vmem>>, vector<16xf32>,
        %get3A_1119 = arith.index_cast %add3A_1073 : i32 to index
        %get3A_1120 = arith.constant 96 : index
        %get3A_1121 = tpu.vector_load %arg13[%get3A_1119, %get3A_1120] {strides = array<i32>} : memref<192x128xf32, #tpu.memory_space<vmem>>, vector<16xf32>,
        %mul3A_1122 = arith.mulf %get3A_1118, %get3A_1121 : vector<16xf32>
        %get3A_1123 = arith.index_cast %add3A_1073 : i32 to index
        %get3A_1124 = arith.constant 112 : index
        %get3A_1125 = tpu.vector_load %arg12[%get3A_1123, %get3A_1124] {strides = array<i32>} : memref<192x128xf32, #tpu.memory_space<vmem>>, vector<16xf32>,
        %get3A_1126 = arith.index_cast %add3A_1073 : i32 to index
        %get3A_1127 = arith.constant 112 : index
        %get3A_1128 = tpu.vector_load %arg13[%get3A_1126, %get3A_1127] {strides = array<i32>} : memref<192x128xf32, #tpu.memory_space<vmem>>, vector<16xf32>,
        %mul3A_1129 = arith.mulf %get3A_1125, %get3A_1128 : vector<16xf32>
        %add3A_1130 = arith.addf %mul3A_1080, %mul3A_1087 : vector<16xf32>
        %add3A_1131 = arith.addf %mul3A_1094, %mul3A_1101 : vector<16xf32>
        %add3A_1132 = arith.addf %mul3A_1108, %mul3A_1115 : vector<16xf32>
        %add3A_1133 = arith.addf %mul3A_1122, %mul3A_1129 : vector<16xf32>
        %add3A_1134 = arith.addf %add3A_1130, %add3A_1131 : vector<16xf32>
        %add3A_1135 = arith.addf %add3A_1132, %add3A_1133 : vector<16xf32>
        %add3A_1136 = arith.addf %add3A_1134, %add3A_1135 : vector<16xf32>
        %swap3A_1137 = arith.constant 208 : index
        %swap3A_1138 = tpu.vector_load %arg18[%swap3A_1137] {strides = array<i32>} : memref<256xf32, #tpu.memory_space<vmem>>, vector<16xf32>,
        tpu.vector_store %arg18[%swap3A_1137], %add3A_1136 {strides = array<i32>} : memref<256xf32, #tpu.memory_space<vmem>>, vector<16xf32>,
        %mul3A_1139 = arith.constant 16 : i32
        %mul3A_1140 = arith.muli %scan3A_158, %mul3A_1139 : i32
        %add3A_1141 = arith.addi %mul3A_149, %mul3A_1140 : i32
        %add3A_1142 = arith.constant 14 : i32
        %add3A_1143 = arith.addi %add3A_1141, %add3A_1142 : i32
        %get3A_1144 = arith.index_cast %add3A_1143 : i32 to index
        %get3A_1145 = arith.constant 0 : index
        %get3A_1146 = tpu.vector_load %arg12[%get3A_1144, %get3A_1145] {strides = array<i32>} : memref<192x128xf32, #tpu.memory_space<vmem>>, vector<16xf32>,
        %get3A_1147 = arith.index_cast %add3A_1143 : i32 to index
        %get3A_1148 = arith.constant 0 : index
        %get3A_1149 = tpu.vector_load %arg13[%get3A_1147, %get3A_1148] {strides = array<i32>} : memref<192x128xf32, #tpu.memory_space<vmem>>, vector<16xf32>,
        %mul3A_1150 = arith.mulf %get3A_1146, %get3A_1149 : vector<16xf32>
        %get3A_1151 = arith.index_cast %add3A_1143 : i32 to index
        %get3A_1152 = arith.constant 16 : index
        %get3A_1153 = tpu.vector_load %arg12[%get3A_1151, %get3A_1152] {strides = array<i32>} : memref<192x128xf32, #tpu.memory_space<vmem>>, vector<16xf32>,
        %get3A_1154 = arith.index_cast %add3A_1143 : i32 to index
        %get3A_1155 = arith.constant 16 : index
        %get3A_1156 = tpu.vector_load %arg13[%get3A_1154, %get3A_1155] {strides = array<i32>} : memref<192x128xf32, #tpu.memory_space<vmem>>, vector<16xf32>,
        %mul3A_1157 = arith.mulf %get3A_1153, %get3A_1156 : vector<16xf32>
        %get3A_1158 = arith.index_cast %add3A_1143 : i32 to index
        %get3A_1159 = arith.constant 32 : index
        %get3A_1160 = tpu.vector_load %arg12[%get3A_1158, %get3A_1159] {strides = array<i32>} : memref<192x128xf32, #tpu.memory_space<vmem>>, vector<16xf32>,
        %get3A_1161 = arith.index_cast %add3A_1143 : i32 to index
        %get3A_1162 = arith.constant 32 : index
        %get3A_1163 = tpu.vector_load %arg13[%get3A_1161, %get3A_1162] {strides = array<i32>} : memref<192x128xf32, #tpu.memory_space<vmem>>, vector<16xf32>,
        %mul3A_1164 = arith.mulf %get3A_1160, %get3A_1163 : vector<16xf32>
        %get3A_1165 = arith.index_cast %add3A_1143 : i32 to index
        %get3A_1166 = arith.constant 48 : index
        %get3A_1167 = tpu.vector_load %arg12[%get3A_1165, %get3A_1166] {strides = array<i32>} : memref<192x128xf32, #tpu.memory_space<vmem>>, vector<16xf32>,
        %get3A_1168 = arith.index_cast %add3A_1143 : i32 to index
        %get3A_1169 = arith.constant 48 : index
        %get3A_1170 = tpu.vector_load %arg13[%get3A_1168, %get3A_1169] {strides = array<i32>} : memref<192x128xf32, #tpu.memory_space<vmem>>, vector<16xf32>,
        %mul3A_1171 = arith.mulf %get3A_1167, %get3A_1170 : vector<16xf32>
        %get3A_1172 = arith.index_cast %add3A_1143 : i32 to index
        %get3A_1173 = arith.constant 64 : index
        %get3A_1174 = tpu.vector_load %arg12[%get3A_1172, %get3A_1173] {strides = array<i32>} : memref<192x128xf32, #tpu.memory_space<vmem>>, vector<16xf32>,
        %get3A_1175 = arith.index_cast %add3A_1143 : i32 to index
        %get3A_1176 = arith.constant 64 : index
        %get3A_1177 = tpu.vector_load %arg13[%get3A_1175, %get3A_1176] {strides = array<i32>} : memref<192x128xf32, #tpu.memory_space<vmem>>, vector<16xf32>,
        %mul3A_1178 = arith.mulf %get3A_1174, %get3A_1177 : vector<16xf32>
        %get3A_1179 = arith.index_cast %add3A_1143 : i32 to index
        %get3A_1180 = arith.constant 80 : index
        %get3A_1181 = tpu.vector_load %arg12[%get3A_1179, %get3A_1180] {strides = array<i32>} : memref<192x128xf32, #tpu.memory_space<vmem>>, vector<16xf32>,
        %get3A_1182 = arith.index_cast %add3A_1143 : i32 to index
        %get3A_1183 = arith.constant 80 : index
        %get3A_1184 = tpu.vector_load %arg13[%get3A_1182, %get3A_1183] {strides = array<i32>} : memref<192x128xf32, #tpu.memory_space<vmem>>, vector<16xf32>,
        %mul3A_1185 = arith.mulf %get3A_1181, %get3A_1184 : vector<16xf32>
        %get3A_1186 = arith.index_cast %add3A_1143 : i32 to index
        %get3A_1187 = arith.constant 96 : index
        %get3A_1188 = tpu.vector_load %arg12[%get3A_1186, %get3A_1187] {strides = array<i32>} : memref<192x128xf32, #tpu.memory_space<vmem>>, vector<16xf32>,
        %get3A_1189 = arith.index_cast %add3A_1143 : i32 to index
        %get3A_1190 = arith.constant 96 : index
        %get3A_1191 = tpu.vector_load %arg13[%get3A_1189, %get3A_1190] {strides = array<i32>} : memref<192x128xf32, #tpu.memory_space<vmem>>, vector<16xf32>,
        %mul3A_1192 = arith.mulf %get3A_1188, %get3A_1191 : vector<16xf32>
        %get3A_1193 = arith.index_cast %add3A_1143 : i32 to index
        %get3A_1194 = arith.constant 112 : index
        %get3A_1195 = tpu.vector_load %arg12[%get3A_1193, %get3A_1194] {strides = array<i32>} : memref<192x128xf32, #tpu.memory_space<vmem>>, vector<16xf32>,
        %get3A_1196 = arith.index_cast %add3A_1143 : i32 to index
        %get3A_1197 = arith.constant 112 : index
        %get3A_1198 = tpu.vector_load %arg13[%get3A_1196, %get3A_1197] {strides = array<i32>} : memref<192x128xf32, #tpu.memory_space<vmem>>, vector<16xf32>,
        %mul3A_1199 = arith.mulf %get3A_1195, %get3A_1198 : vector<16xf32>
        %add3A_1200 = arith.addf %mul3A_1150, %mul3A_1157 : vector<16xf32>
        %add3A_1201 = arith.addf %mul3A_1164, %mul3A_1171 : vector<16xf32>
        %add3A_1202 = arith.addf %mul3A_1178, %mul3A_1185 : vector<16xf32>
        %add3A_1203 = arith.addf %mul3A_1192, %mul3A_1199 : vector<16xf32>
        %add3A_1204 = arith.addf %add3A_1200, %add3A_1201 : vector<16xf32>
        %add3A_1205 = arith.addf %add3A_1202, %add3A_1203 : vector<16xf32>
        %add3A_1206 = arith.addf %add3A_1204, %add3A_1205 : vector<16xf32>
        %swap3A_1207 = arith.constant 224 : index
        %swap3A_1208 = tpu.vector_load %arg18[%swap3A_1207] {strides = array<i32>} : memref<256xf32, #tpu.memory_space<vmem>>, vector<16xf32>,
        tpu.vector_store %arg18[%swap3A_1207], %add3A_1206 {strides = array<i32>} : memref<256xf32, #tpu.memory_space<vmem>>, vector<16xf32>,
        %mul3A_1209 = arith.constant 16 : i32
        %mul3A_1210 = arith.muli %scan3A_158, %mul3A_1209 : i32
        %add3A_1211 = arith.addi %mul3A_149, %mul3A_1210 : i32
        %add3A_1212 = arith.constant 15 : i32
        %add3A_1213 = arith.addi %add3A_1211, %add3A_1212 : i32
        %get3A_1214 = arith.index_cast %add3A_1213 : i32 to index
        %get3A_1215 = arith.constant 0 : index
        %get3A_1216 = tpu.vector_load %arg12[%get3A_1214, %get3A_1215] {strides = array<i32>} : memref<192x128xf32, #tpu.memory_space<vmem>>, vector<16xf32>,
        %get3A_1217 = arith.index_cast %add3A_1213 : i32 to index
        %get3A_1218 = arith.constant 0 : index
        %get3A_1219 = tpu.vector_load %arg13[%get3A_1217, %get3A_1218] {strides = array<i32>} : memref<192x128xf32, #tpu.memory_space<vmem>>, vector<16xf32>,
        %mul3A_1220 = arith.mulf %get3A_1216, %get3A_1219 : vector<16xf32>
        %get3A_1221 = arith.index_cast %add3A_1213 : i32 to index
        %get3A_1222 = arith.constant 16 : index
        %get3A_1223 = tpu.vector_load %arg12[%get3A_1221, %get3A_1222] {strides = array<i32>} : memref<192x128xf32, #tpu.memory_space<vmem>>, vector<16xf32>,
        %get3A_1224 = arith.index_cast %add3A_1213 : i32 to index
        %get3A_1225 = arith.constant 16 : index
        %get3A_1226 = tpu.vector_load %arg13[%get3A_1224, %get3A_1225] {strides = array<i32>} : memref<192x128xf32, #tpu.memory_space<vmem>>, vector<16xf32>,
        %mul3A_1227 = arith.mulf %get3A_1223, %get3A_1226 : vector<16xf32>
        %get3A_1228 = arith.index_cast %add3A_1213 : i32 to index
        %get3A_1229 = arith.constant 32 : index
        %get3A_1230 = tpu.vector_load %arg12[%get3A_1228, %get3A_1229] {strides = array<i32>} : memref<192x128xf32, #tpu.memory_space<vmem>>, vector<16xf32>,
        %get3A_1231 = arith.index_cast %add3A_1213 : i32 to index
        %get3A_1232 = arith.constant 32 : index
        %get3A_1233 = tpu.vector_load %arg13[%get3A_1231, %get3A_1232] {strides = array<i32>} : memref<192x128xf32, #tpu.memory_space<vmem>>, vector<16xf32>,
        %mul3A_1234 = arith.mulf %get3A_1230, %get3A_1233 : vector<16xf32>
        %get3A_1235 = arith.index_cast %add3A_1213 : i32 to index
        %get3A_1236 = arith.constant 48 : index
        %get3A_1237 = tpu.vector_load %arg12[%get3A_1235, %get3A_1236] {strides = array<i32>} : memref<192x128xf32, #tpu.memory_space<vmem>>, vector<16xf32>,
        %get3A_1238 = arith.index_cast %add3A_1213 : i32 to index
        %get3A_1239 = arith.constant 48 : index
        %get3A_1240 = tpu.vector_load %arg13[%get3A_1238, %get3A_1239] {strides = array<i32>} : memref<192x128xf32, #tpu.memory_space<vmem>>, vector<16xf32>,
        %mul3A_1241 = arith.mulf %get3A_1237, %get3A_1240 : vector<16xf32>
        %get3A_1242 = arith.index_cast %add3A_1213 : i32 to index
        %get3A_1243 = arith.constant 64 : index
        %get3A_1244 = tpu.vector_load %arg12[%get3A_1242, %get3A_1243] {strides = array<i32>} : memref<192x128xf32, #tpu.memory_space<vmem>>, vector<16xf32>,
        %get3A_1245 = arith.index_cast %add3A_1213 : i32 to index
        %get3A_1246 = arith.constant 64 : index
        %get3A_1247 = tpu.vector_load %arg13[%get3A_1245, %get3A_1246] {strides = array<i32>} : memref<192x128xf32, #tpu.memory_space<vmem>>, vector<16xf32>,
        %mul3A_1248 = arith.mulf %get3A_1244, %get3A_1247 : vector<16xf32>
        %get3A_1249 = arith.index_cast %add3A_1213 : i32 to index
        %get3A_1250 = arith.constant 80 : index
        %get3A_1251 = tpu.vector_load %arg12[%get3A_1249, %get3A_1250] {strides = array<i32>} : memref<192x128xf32, #tpu.memory_space<vmem>>, vector<16xf32>,
        %get3A_1252 = arith.index_cast %add3A_1213 : i32 to index
        %get3A_1253 = arith.constant 80 : index
        %get3A_1254 = tpu.vector_load %arg13[%get3A_1252, %get3A_1253] {strides = array<i32>} : memref<192x128xf32, #tpu.memory_space<vmem>>, vector<16xf32>,
        %mul3A_1255 = arith.mulf %get3A_1251, %get3A_1254 : vector<16xf32>
        %get3A_1256 = arith.index_cast %add3A_1213 : i32 to index
        %get3A_1257 = arith.constant 96 : index
        %get3A_1258 = tpu.vector_load %arg12[%get3A_1256, %get3A_1257] {strides = array<i32>} : memref<192x128xf32, #tpu.memory_space<vmem>>, vector<16xf32>,
        %get3A_1259 = arith.index_cast %add3A_1213 : i32 to index
        %get3A_1260 = arith.constant 96 : index
        %get3A_1261 = tpu.vector_load %arg13[%get3A_1259, %get3A_1260] {strides = array<i32>} : memref<192x128xf32, #tpu.memory_space<vmem>>, vector<16xf32>,
        %mul3A_1262 = arith.mulf %get3A_1258, %get3A_1261 : vector<16xf32>
        %get3A_1263 = arith.index_cast %add3A_1213 : i32 to index
        %get3A_1264 = arith.constant 112 : index
        %get3A_1265 = tpu.vector_load %arg12[%get3A_1263, %get3A_1264] {strides = array<i32>} : memref<192x128xf32, #tpu.memory_space<vmem>>, vector<16xf32>,
        %get3A_1266 = arith.index_cast %add3A_1213 : i32 to index
        %get3A_1267 = arith.constant 112 : index
        %get3A_1268 = tpu.vector_load %arg13[%get3A_1266, %get3A_1267] {strides = array<i32>} : memref<192x128xf32, #tpu.memory_space<vmem>>, vector<16xf32>,
        %mul3A_1269 = arith.mulf %get3A_1265, %get3A_1268 : vector<16xf32>
        %add3A_1270 = arith.addf %mul3A_1220, %mul3A_1227 : vector<16xf32>
        %add3A_1271 = arith.addf %mul3A_1234, %mul3A_1241 : vector<16xf32>
        %add3A_1272 = arith.addf %mul3A_1248, %mul3A_1255 : vector<16xf32>
        %add3A_1273 = arith.addf %mul3A_1262, %mul3A_1269 : vector<16xf32>
        %add3A_1274 = arith.addf %add3A_1270, %add3A_1271 : vector<16xf32>
        %add3A_1275 = arith.addf %add3A_1272, %add3A_1273 : vector<16xf32>
        %add3A_1276 = arith.addf %add3A_1274, %add3A_1275 : vector<16xf32>
        %swap3A_1277 = arith.constant 240 : index
        %swap3A_1278 = tpu.vector_load %arg18[%swap3A_1277] {strides = array<i32>} : memref<256xf32, #tpu.memory_space<vmem>>, vector<16xf32>,
        tpu.vector_store %arg18[%swap3A_1277], %add3A_1276 {strides = array<i32>} : memref<256xf32, #tpu.memory_space<vmem>>, vector<16xf32>,
        %iota3A = tpu.iota {dimensions = array<i32: 0>} : vector<16xi32>
        %mul3A_1279 = arith.constant 16 : i32
        %mul3A_1280 = vector.broadcast %mul3A_1279 : i32 to vector<16xi32>
        %mul3A_1281 = arith.muli %iota3A, %mul3A_1280 : vector<16xi32>
        %add3A_1282 = arith.constant 0 : i32
        %add3A_1283 = vector.broadcast %add3A_1282 : i32 to vector<16xi32>
        %add3A_1284 = arith.addi %mul3A_1281, %add3A_1283 : vector<16xi32>
        %gather3A = tpu.vector_load_idx %arg18[%add3A_1284] : memref<256xf32, #tpu.memory_space<vmem>>[vector<16xi32>], vector<16xf32>,
        %add3A_1285 = arith.constant 1 : i32
        %add3A_1286 = vector.broadcast %add3A_1285 : i32 to vector<16xi32>
        %add3A_1287 = arith.addi %mul3A_1281, %add3A_1286 : vector<16xi32>
        %gather3A_1288 = tpu.vector_load_idx %arg18[%add3A_1287] : memref<256xf32, #tpu.memory_space<vmem>>[vector<16xi32>], vector<16xf32>,
        %add3A_1289 = arith.constant 2 : i32
        %add3A_1290 = vector.broadcast %add3A_1289 : i32 to vector<16xi32>
        %add3A_1291 = arith.addi %mul3A_1281, %add3A_1290 : vector<16xi32>
        %gather3A_1292 = tpu.vector_load_idx %arg18[%add3A_1291] : memref<256xf32, #tpu.memory_space<vmem>>[vector<16xi32>], vector<16xf32>,
        %add3A_1293 = arith.constant 3 : i32
        %add3A_1294 = vector.broadcast %add3A_1293 : i32 to vector<16xi32>
        %add3A_1295 = arith.addi %mul3A_1281, %add3A_1294 : vector<16xi32>
        %gather3A_1296 = tpu.vector_load_idx %arg18[%add3A_1295] : memref<256xf32, #tpu.memory_space<vmem>>[vector<16xi32>], vector<16xf32>,
        %add3A_1297 = arith.constant 4 : i32
        %add3A_1298 = vector.broadcast %add3A_1297 : i32 to vector<16xi32>
        %add3A_1299 = arith.addi %mul3A_1281, %add3A_1298 : vector<16xi32>
        %gather3A_1300 = tpu.vector_load_idx %arg18[%add3A_1299] : memref<256xf32, #tpu.memory_space<vmem>>[vector<16xi32>], vector<16xf32>,
        %add3A_1301 = arith.constant 5 : i32
        %add3A_1302 = vector.broadcast %add3A_1301 : i32 to vector<16xi32>
        %add3A_1303 = arith.addi %mul3A_1281, %add3A_1302 : vector<16xi32>
        %gather3A_1304 = tpu.vector_load_idx %arg18[%add3A_1303] : memref<256xf32, #tpu.memory_space<vmem>>[vector<16xi32>], vector<16xf32>,
        %add3A_1305 = arith.constant 6 : i32
        %add3A_1306 = vector.broadcast %add3A_1305 : i32 to vector<16xi32>
        %add3A_1307 = arith.addi %mul3A_1281, %add3A_1306 : vector<16xi32>
        %gather3A_1308 = tpu.vector_load_idx %arg18[%add3A_1307] : memref<256xf32, #tpu.memory_space<vmem>>[vector<16xi32>], vector<16xf32>,
        %add3A_1309 = arith.constant 7 : i32
        %add3A_1310 = vector.broadcast %add3A_1309 : i32 to vector<16xi32>
        %add3A_1311 = arith.addi %mul3A_1281, %add3A_1310 : vector<16xi32>
        %gather3A_1312 = tpu.vector_load_idx %arg18[%add3A_1311] : memref<256xf32, #tpu.memory_space<vmem>>[vector<16xi32>], vector<16xf32>,
        %add3A_1313 = arith.constant 8 : i32
        %add3A_1314 = vector.broadcast %add3A_1313 : i32 to vector<16xi32>
        %add3A_1315 = arith.addi %mul3A_1281, %add3A_1314 : vector<16xi32>
        %gather3A_1316 = tpu.vector_load_idx %arg18[%add3A_1315] : memref<256xf32, #tpu.memory_space<vmem>>[vector<16xi32>], vector<16xf32>,
        %add3A_1317 = arith.constant 9 : i32
        %add3A_1318 = vector.broadcast %add3A_1317 : i32 to vector<16xi32>
        %add3A_1319 = arith.addi %mul3A_1281, %add3A_1318 : vector<16xi32>
        %gather3A_1320 = tpu.vector_load_idx %arg18[%add3A_1319] : memref<256xf32, #tpu.memory_space<vmem>>[vector<16xi32>], vector<16xf32>,
        %add3A_1321 = arith.constant 10 : i32
        %add3A_1322 = vector.broadcast %add3A_1321 : i32 to vector<16xi32>
        %add3A_1323 = arith.addi %mul3A_1281, %add3A_1322 : vector<16xi32>
        %gather3A_1324 = tpu.vector_load_idx %arg18[%add3A_1323] : memref<256xf32, #tpu.memory_space<vmem>>[vector<16xi32>], vector<16xf32>,
        %add3A_1325 = arith.constant 11 : i32
        %add3A_1326 = vector.broadcast %add3A_1325 : i32 to vector<16xi32>
        %add3A_1327 = arith.addi %mul3A_1281, %add3A_1326 : vector<16xi32>
        %gather3A_1328 = tpu.vector_load_idx %arg18[%add3A_1327] : memref<256xf32, #tpu.memory_space<vmem>>[vector<16xi32>], vector<16xf32>,
        %add3A_1329 = arith.constant 12 : i32
        %add3A_1330 = vector.broadcast %add3A_1329 : i32 to vector<16xi32>
        %add3A_1331 = arith.addi %mul3A_1281, %add3A_1330 : vector<16xi32>
        %gather3A_1332 = tpu.vector_load_idx %arg18[%add3A_1331] : memref<256xf32, #tpu.memory_space<vmem>>[vector<16xi32>], vector<16xf32>,
        %add3A_1333 = arith.constant 13 : i32
        %add3A_1334 = vector.broadcast %add3A_1333 : i32 to vector<16xi32>
        %add3A_1335 = arith.addi %mul3A_1281, %add3A_1334 : vector<16xi32>
        %gather3A_1336 = tpu.vector_load_idx %arg18[%add3A_1335] : memref<256xf32, #tpu.memory_space<vmem>>[vector<16xi32>], vector<16xf32>,
        %add3A_1337 = arith.constant 14 : i32
        %add3A_1338 = vector.broadcast %add3A_1337 : i32 to vector<16xi32>
        %add3A_1339 = arith.addi %mul3A_1281, %add3A_1338 : vector<16xi32>
        %gather3A_1340 = tpu.vector_load_idx %arg18[%add3A_1339] : memref<256xf32, #tpu.memory_space<vmem>>[vector<16xi32>], vector<16xf32>,
        %add3A_1341 = arith.constant 15 : i32
        %add3A_1342 = vector.broadcast %add3A_1341 : i32 to vector<16xi32>
        %add3A_1343 = arith.addi %mul3A_1281, %add3A_1342 : vector<16xi32>
        %gather3A_1344 = tpu.vector_load_idx %arg18[%add3A_1343] : memref<256xf32, #tpu.memory_space<vmem>>[vector<16xi32>], vector<16xf32>,
        %add3A_1345 = arith.addf %gather3A, %gather3A_1288 : vector<16xf32>
        %add3A_1346 = arith.addf %gather3A_1292, %gather3A_1296 : vector<16xf32>
        %add3A_1347 = arith.addf %gather3A_1300, %gather3A_1304 : vector<16xf32>
        %add3A_1348 = arith.addf %gather3A_1308, %gather3A_1312 : vector<16xf32>
        %add3A_1349 = arith.addf %gather3A_1316, %gather3A_1320 : vector<16xf32>
        %add3A_1350 = arith.addf %gather3A_1324, %gather3A_1328 : vector<16xf32>
        %add3A_1351 = arith.addf %gather3A_1332, %gather3A_1336 : vector<16xf32>
        %add3A_1352 = arith.addf %gather3A_1340, %gather3A_1344 : vector<16xf32>
        %add3A_1353 = arith.addf %add3A_1345, %add3A_1346 : vector<16xf32>
        %add3A_1354 = arith.addf %add3A_1347, %add3A_1348 : vector<16xf32>
        %add3A_1355 = arith.addf %add3A_1349, %add3A_1350 : vector<16xf32>
        %add3A_1356 = arith.addf %add3A_1351, %add3A_1352 : vector<16xf32>
        %add3A_1357 = arith.addf %add3A_1353, %add3A_1354 : vector<16xf32>
        %add3A_1358 = arith.addf %add3A_1355, %add3A_1356 : vector<16xf32>
        %add3A_1359 = arith.addf %add3A_1357, %add3A_1358 : vector<16xf32>
        %mul3A_1360 = arith.constant 64 : i32
        %mul3A_1361 = arith.muli %scan3A_119, %mul3A_1360 : i32
        %mul3A_1362 = arith.constant 16 : i32
        %mul3A_1363 = arith.muli %scan3A_158, %mul3A_1362 : i32
        %add3A_1364 = arith.addi %mul3A_1361, %mul3A_1363 : i32
        %swap3A_1365 = arith.index_cast %add3A_1364 : i32 to index
        %swap3A_1366 = tpu.vector_load %arg14[%swap3A_1365] {strides = array<i32>} : memref<512xf32, #tpu.memory_space<vmem>>, vector<16xf32>,
        tpu.vector_store %arg14[%swap3A_1365], %add3A_1359 {strides = array<i32>} : memref<512xf32, #tpu.memory_space<vmem>>, vector<16xf32>,
        %scan3A_1367 = arith.constant 0 : i32
        scf.yield %scan3A_1367 : i32
      }
      %scan3A_156 = arith.constant 4 : i32
      %scan3A_157 = arith.constant 0 : i32
      scf.yield %scan3A_157 : i32
    }
    %scan3A_106 = arith.constant 8 : i32
    tpu.wait_dma2 semaphore(%arg20 : memref<!tpu.dma_semaphore, #tpu.memory_space<semaphore_mem>>) src(%arg8 : memref<16xf32, #tpu.memory_space<hbm>>) dst(%arg17 : memref<16xf32, #tpu.memory_space<vmem>>)
    %dma_wait3A_107 = arith.constant 0 : i32
    %dma_wait3A_108 = tpu.memref_slice %arg6[%dma_wait3A_107] : memref<100000xf32, #tpu.memory_space<hbm>> -> memref<100000xf32, #tpu.memory_space<hbm>>
    tpu.wait_indirect_dma semaphore(%arg20 : memref<!tpu.dma_semaphore, #tpu.memory_space<semaphore_mem>>) src(%dma_wait3A_108 : memref<100000xf32, #tpu.memory_space<hbm>>) dst(%arg15 : memref<512xf32, #tpu.memory_space<vmem>>)
    %dma_wait3A_109 = arith.constant 0 : i32
    %dma_wait3A_110 = tpu.memref_slice %arg7[%dma_wait3A_109] : memref<100000xf32, #tpu.memory_space<hbm>> -> memref<100000xf32, #tpu.memory_space<hbm>>
    tpu.wait_indirect_dma semaphore(%arg20 : memref<!tpu.dma_semaphore, #tpu.memory_space<semaphore_mem>>) src(%dma_wait3A_110 : memref<100000xf32, #tpu.memory_space<hbm>>) dst(%arg16 : memref<512xf32, #tpu.memory_space<vmem>>)
    %get3A = arith.constant 0 : index
    %get3A_111 = tpu.vector_load %arg17[%get3A] {strides = array<i32>} : memref<16xf32, #tpu.memory_space<vmem>>, vector<16xf32>,
    %scan3A_112 = arith.constant 0 : i32
    %scan3A_113 = arith.constant 0 : i32
    %scan3A_114 = arith.constant 32 : i32
    %scan3A_115 = arith.addi %scan3A_113, %scan3A_114 : i32
    %scan3A_116 = arith.constant 1 : i32
    %scan3A_117 = scf.for %scan3A_119 = %scan3A_113 to %scan3A_115 step %scan3A_116 iter_args(%scan3A_120 = %scan3A_112) -> (i32)  : i32 {
      %mul3A_121 = arith.constant 16 : i32
      %mul3A_122 = arith.muli %scan3A_119, %mul3A_121 : i32
      %get3A_123 = arith.index_cast %mul3A_122 : i32 to index
      %get3A_124 = tpu.vector_load %arg14[%get3A_123] {strides = array<i32>} : memref<512xf32, #tpu.memory_space<vmem>>, vector<16xf32>,
      %get3A_125 = arith.index_cast %mul3A_122 : i32 to index
      %get3A_126 = tpu.vector_load %arg15[%get3A_125] {strides = array<i32>} : memref<512xf32, #tpu.memory_space<vmem>>, vector<16xf32>,
      %add3A_127 = arith.addf %get3A_124, %get3A_126 : vector<16xf32>
      %get3A_128 = arith.index_cast %mul3A_122 : i32 to index
      %get3A_129 = tpu.vector_load %arg16[%get3A_128] {strides = array<i32>} : memref<512xf32, #tpu.memory_space<vmem>>, vector<16xf32>,
      %add3A_130 = arith.addf %add3A_127, %get3A_129 : vector<16xf32>
      %add3A_131 = arith.addf %add3A_130, %get3A_111 : vector<16xf32>
      %swap3A = arith.index_cast %mul3A_122 : i32 to index
      %swap3A_132 = tpu.vector_load %arg14[%swap3A] {strides = array<i32>} : memref<512xf32, #tpu.memory_space<vmem>>, vector<16xf32>,
      tpu.vector_store %arg14[%swap3A], %add3A_131 {strides = array<i32>} : memref<512xf32, #tpu.memory_space<vmem>>, vector<16xf32>,
      %scan3A_133 = arith.constant 0 : i32
      scf.yield %scan3A_133 : i32
    }
    %scan3A_118 = arith.constant 32 : i32
    "tpu.region"() ({
      %run_scoped3A = tpu.sem_alloc : memref<!tpu.dma_semaphore, #tpu.memory_space<semaphore_mem>>
      %dma_start3A_119 = tpu.memref_slice %arg9[%mul3A_2] : memref<16384xf32, #tpu.memory_space<hbm>> -> memref<512xf32, #tpu.memory_space<hbm>>
      %dma_start3A_120 = tpu.memref_slice %arg9[%mul3A_2] : memref<16384xf32, #tpu.memory_space<hbm>> -> memref<512xf32, #tpu.memory_space<hbm>>
      tpu.enqueue_dma source(%arg14 : memref<512xf32, #tpu.memory_space<vmem>>) target(%dma_start3A_120 : memref<512xf32, #tpu.memory_space<hbm>>) target_semaphore(%run_scoped3A : memref<!tpu.dma_semaphore, #tpu.memory_space<semaphore_mem>>)
      %dma_wait3A_121 = tpu.memref_slice %arg9[%mul3A_2] : memref<16384xf32, #tpu.memory_space<hbm>> -> memref<512xf32, #tpu.memory_space<hbm>>
      %dma_wait3A_122 = tpu.memref_slice %arg9[%mul3A_2] : memref<16384xf32, #tpu.memory_space<hbm>> -> memref<512xf32, #tpu.memory_space<hbm>>
      tpu.wait_dma2 semaphore(%run_scoped3A : memref<!tpu.dma_semaphore, #tpu.memory_space<semaphore_mem>>) src(%arg14 : memref<512xf32, #tpu.memory_space<vmem>>) dst(%dma_wait3A_122 : memref<512xf32, #tpu.memory_space<hbm>>)
      tpu.yield
    }) : () -> ()
    return
  }
}

</mosaic_0001>

<sc_bundles>
// kernel: kernel.3.cloned.1.call-start
scs
__scs_entry_jumppad:
0x0: {  	(pc) =	sbr.rel $0x88, $3  }
0x1: {  	(tag) =	ssettag $0x0;
	lr =	simm.s32 $0x1  }
0x2: {  	[smem:$0x3F9A] =	sst lr;
	_ =	strace $0xD0000000  }
0x3: {  	_ = 	snop  }
0x4: {  	_ = 	snop  }
0x5: {  	_ = 	snop  }
0x6: {  	_ = 	snop  }
0x7: {  	_ = 	snop  }
__scs_overlays_trampoline_lowered:
0x8: {  	[smem:$0x3FA9] =	sst s0  }
0x9: {  	[smem:$0x3FAA] =	sst s1  }
0xa: {  	[smem:$0x3FAB] =	sst s2  }
0xb: {  	[smem:$0x3FAC] =	sst s3  }
0xc: {  	[smem:$0x3FAD] =	sst s4  }
0xd: {  	[smem:$0x3FAE] =	sst s5  }
0xe: {  	[smem:$0x3FAF] =	sst s6  }
0xf: {  	[smem:$0x3FB0] =	sst s7  }
0x10: {  	[smem:$0x3FB1] =	sst s8  }
0x11: {  	[smem:$0x3FB2] =	sst s9;
	s0 =	simm.s32 @!p0 $0x0  }
0x12: {  	s1 =	sld [smem:$0x3F98];
	s0 =	simm.s32 @p0 $0x1  }
0x13: {  	[smem:$0x3FB3] =	sst s0;
	s0 =	simm.s32 @!p1 $0x0  }
0x14: {  	s2 =	sld [smem:$0x3F97];
	s0 =	simm.s32 @p1 $0x1  }
0x15: {  	[smem:$0x3FB4] =	sst s0;
	s0 =	simm.s32 @!p2 $0x0  }
0x16: {  	s3 =	sld [smem:$0x3FDB];
	s0 =	simm.s32 @p2 $0x1  }
0x17: {  	s4 =	simm.s32 $0x1BF5;
	[smem:$0x3FB6] =	sst s0  }
0x18: {  	s0 =	sld [smem:$0x3F99];
	_ =	swait.ge [sflag:s4], $0x0  }
0x19: {  	s7 =	sld [smem:$0x3F9A]  }
0x1a: {  	s8 =	sadd.s32 $0xFFFFE003, lr  }
0x1b: {  	s9 =	sadd.s32 $0xFFFFFEF7, lr;
	s5 =	simm.s32 $0xFFFFFFFF;
	p2 =	slt.u32 s8, $0xFFFFF086  }
0x1c: {  	p1 =	slt.u32 s9, $0xF7A;
	s5 =	simm.s32 @!p2 $0x0  }
0x1d: {  	s5 =	simm.s32 @p1 $0x1;
	p0 =	seq.s32 s7, s2  }
0x1e: {  	s7 =	smul.u32 @!p0 $0xF7A, s2;
	p2 =	seq.s32 @!p0 s5, $0x0  }
0x1f: {  	s9 =	smul.u32 $0xF7A, s1;
	s8 =	simm.s32 @!p0 $0x1BF5;
	p2 =	por !p2, p0  }
0x20: {  	[sflag:s8] =	ssyncset.s32 @!p0 $0xFFFFF086;
	s6 =	sadd.s32 @!p0 s3, s7;
	s7 =	simm.s32 @!p0 $0x108  }
0x21: {  	s3 =	sadd.s32 s3, s9;
	s6 =	sadd.s32 @!p0 $0x88, s6;
	s7 =	simm.s32 @p2 $0x1082  }
0x22: {  	[simem:s7], [sflag:s8] =	dma.local @!p0 [hbm:s6], $0xF7A  }
0x23: {  	s9 =	sor.u32 $0xD0000000, s2;
	s6 =	simm.s32 $0x108;
	_ =	swait.ge @!p0 [sflag:s8], $0x0  }
0x24: {  	s3 =	sadd.s32 $0x88, s3;
	s6 =	simm.s32 @!p1 $0x1082;
	[sflag:s4] =	ssyncset.s32 $0xFFFFF086  }
0x25: {  	[simem:s6], [sflag:s4] =	dma.local [hbm:s3], $0xF7A  }
0x26: {  	[smem:$0x3F9A] =	sst s1;
	(tag) =	ssettag s2;
	_ =	strace s9  }
0x27: {  	s1 =	sld [smem:$0x3FAA]  }
0x28: {  	s2 =	sld [smem:$0x3FAB]  }
0x29: {  	s4 =	sld [smem:$0x3FAD]  }
0x2a: {  	p0 =	seq.s32 s5, $0x0;
	s5 =	sld [smem:$0x3FAE]  }
0x2b: {  	s6 =	sld [smem:$0x3FAF]  }
0x2c: {  	s7 =	sld [smem:$0x3FB0]  }
0x2d: {  	s3 =	simm.s32 $0x108;
	s8 =	sld [smem:$0x3FB1]  }
0x2e: {  	s3 =	simm.s32 @!p0 $0x1082;
	s9 =	sld [smem:$0x3FB2]  }
0x2f: {  	lr =	sadd.s32 s0, s3;
	s0 =	sld [smem:$0x3FA9]  }
0x30: {  	s3 =	sld [smem:$0x3FAC]  }
0x31: {  	[smem:$0x3FB5] =	sst s10  }
0x32: {  	s10 =	sld [smem:$0x3FB3];
	_ =	sdelay $0x3  }
0x33: {  	p0 =	seq.s32 s10, $0x1;
	s10 =	sld [smem:$0x3FB5];
	_ =	sdelay $0x3  }
0x34: {  	[smem:$0x3FB5] =	sst s10  }
0x35: {  	s10 =	sld [smem:$0x3FB4];
	_ =	sdelay $0x3  }
0x36: {  	p1 =	seq.s32 s10, $0x1;
	s10 =	sld [smem:$0x3FB5];
	_ =	sdelay $0x3  }
0x37: {  	[smem:$0x3FB5] =	sst s10  }
0x38: {  	s10 =	sld [smem:$0x3FB6]  }
0x39: {  	_ = 	snop;
	(pc) =	sbr.ind lr, $3  }
0x3a: {  	_ = 	snop  }
0x3b: {  	_ = 	snop  }
0x3c: {  	p2 =	seq.s32 s10, $0x1;
	s10 =	sld [smem:$0x3FB5]  }
0x3d: {  	_ =	shalt  }
0x3e: {  	_ =	shalt  }
0x3f: {  	_ =	shalt  }
0x40: {  	_ =	shalt  }
0x41: {  	_ =	shalt  }
0x42: {  	_ =	shalt  }
0x43: {  	_ =	shalt  }
0x44: {  	_ =	shalt  }
0x45: {  	_ =	shalt  }
0x46: {  	_ =	shalt  }
0x47: {  	_ =	shalt  }
0x48: {  	_ =	shalt  }
0x49: {  	_ =	shalt  }
0x4a: {  	_ =	shalt  }
0x4b: {  	_ =	shalt  }
0x4c: {  	_ =	shalt  }
0x4d: {  	_ =	shalt  }
0x4e: {  	_ =	shalt  }
0x4f: {  	_ =	shalt  }
0x50: {  	_ =	shalt  }
0x51: {  	_ =	shalt  }
0x52: {  	_ =	shalt  }
0x53: {  	_ =	shalt  }
0x54: {  	_ =	shalt  }
0x55: {  	_ =	shalt  }
0x56: {  	_ =	shalt  }
0x57: {  	_ =	shalt  }
0x58: {  	_ =	shalt  }
0x59: {  	_ =	shalt  }
0x5a: {  	_ =	shalt  }
0x5b: {  	_ =	shalt  }
0x5c: {  	_ =	shalt  }
0x5d: {  	_ =	shalt  }
0x5e: {  	_ =	shalt  }
0x5f: {  	_ =	shalt  }
0x60: {  	_ =	shalt  }
0x61: {  	_ =	shalt  }
0x62: {  	_ =	shalt  }
0x63: {  	_ =	shalt  }
0x64: {  	_ =	shalt  }
0x65: {  	_ =	shalt  }
0x66: {  	_ =	shalt  }
0x67: {  	_ =	shalt  }
0x68: {  	_ =	shalt  }
0x69: {  	_ =	shalt  }
0x6a: {  	_ =	shalt  }
0x6b: {  	_ =	shalt  }
0x6c: {  	_ =	shalt  }
0x6d: {  	_ =	shalt  }
0x6e: {  	_ =	shalt  }
0x6f: {  	_ =	shalt  }
0x70: {  	_ =	shalt  }
0x71: {  	_ =	shalt  }
0x72: {  	_ =	shalt  }
0x73: {  	_ =	shalt  }
0x74: {  	_ =	shalt  }
0x75: {  	_ =	shalt  }
0x76: {  	_ =	shalt  }
0x77: {  	_ =	shalt  }
0x78: {  	_ =	shalt  }
0x79: {  	_ =	shalt  }
0x7a: {  	_ =	shalt  }
0x7b: {  	_ =	shalt  }
0x7c: {  	_ =	shalt  }
0x7d: {  	_ =	shalt  }
0x7e: {  	_ =	shalt  }
0x7f: {  	_ =	shalt  }
0x80: {  	_ =	shalt  }
0x81: {  	_ =	shalt  }
0x82: {  	_ =	shalt  }
0x83: {  	_ =	shalt  }
0x84: {  	_ =	shalt  }
0x85: {  	_ =	shalt  }
0x86: {  	_ =	shalt  }
0x87: {  	_ =	shalt  }
.Lfunc_end0:
.L_simem_size_0:
called_computation_lowered:
.L_overlay_start_0:
0x88: {  	s2 =	sld [smem:$0x3FD9]  }
0x89: {  	s3 =	sld [smem:$0x3FFE];
	_ =	sdelay $0x1  }
0x8a: {  	s1 =	srdreg.scid  }
0x8b: {  	s0 =	sand.u32 $0x1, s1  }
0x8c: {  	s17 =	sshll.u32 s0, $0xA;
	s2 =	sadd.s32 s3, s2  }
0x8d: {  	s2 =	sadd.s32 s2, s17  }
0x8e: {  	[smem:$0x3FC1] =	sst s2  }
0x8f: {  	_ = 	snop  }
0x90: {  	s2 =	sld [smem:$0x3FC9]  }
0x91: {  	s18 =	sld [smem:$0x3FC8]  }
0x92: {  	s4 =	sld [smem:$0x3FC7]  }
0x93: {  	s5 =	sld [smem:$0x3FC6]  }
0x94: {  	s6 =	sld [smem:$0x3FC5]  }
0x95: {  	s7 =	sld [smem:$0x3FC4]  }
0x96: {  	s8 =	sld [smem:$0x3FD0];
	(tm) =	ssettm $0x1  }
0x97: {  	s9 =	sld [smem:$0x3FFB];
	_ =	sdelay $0x3  }
0x98: {  	_ =	strace s9  }
0x99: {  	s9 =	sld [smem:$0x3FFC];
	_ =	sdelay $0x3  }
0x9a: {  	_ =	strace s9  }
0x9b: {  	s9 =	sld [smem:$0x3FFD];
	_ =	sdelay $0x3  }
0x9c: {  	_ =	strace s9  }
0x9d: {  	_ =	strace $0x8FFFFFFF  }
0x9e: {  	s19 =	sld [smem:$0x3FDB];
	_ =	sdelay $0x1  }
0x9f: {  	s10 =	simm.s32 $_scs_section_size  }
0xa0: {  	s11 =	simm.s32 $_size__tile_overlayer_lowered;
	s12 =	simm.s32 $_tile_overlayer_lowered  }
0xa1: {  	s22 =	simm.s32 $0x1BFF;
	s21 =	sshll.u32 s12, $0x1;
	s9 =	sadd.s32 s10, s19  }
0xa2: {  	s13 =	simm.s32 $0x0;
	s20 =	sshll.u32 s11, $0x1;
	s11 =	sadd.s32 s21, s9  }
0xa3: {  	[timem:s13], [sflag:s22] =	dma.local [hbm:s11], s20  }
0xa4: {  	_ =	swait.ge [sflag:s22], s20  }
0xa5: {  	s10 =	ssub.s32 $0x0, s20;
	[sflag:s22] =	ssyncset.done $0x0  }
0xa6: {  	[sflag:s22] =	ssyncadd.s32 s10;
	_ =	sdelay $0x1  }
0xa7: {  	s23 =	simm.s32 $0x1B8B  }
0xa8: {  	_ =	swait.ge [sflag:s23], $0x1  }
0xa9: {  	[sflag:s23] =	ssyncset.done $0x0  }
0xaa: {  	s25 =	simm.s32 $0x1B8E;
	s24 =	sld [smem:$0x3FFE];
	[sflag:s23] =	ssyncadd.s32 $0xFFFFFFFF  }
0xab: {  	s26 =	simm.s32 $execute0_lowered;
	[smem:$0x3FD2] =	sst s25  }
0xac: {  	s11 =	sshll.u32 s26, $0x1;
	_ =	strace $0x80000046;
	[dreg:$0x1] =	wrdreg $0xFFFFFFFF  }
0xad: {  	s28 =	simm.s32 $_size_execute0_lowered;
	s9 =	sadd.s32 s9, s11;
	[dreg:$0x0] =	wrdreg $0x0  }
0xae: {  	s11 =	sshll.u32 s28, $0x1;
	[dreg:$0x2] =	wrdreg s9  }
0xaf: {  	[dreg:$0x3] =	wrdreg s11  }
0xb0: {  	[dreg:$0x4] =	wrdreg $0xC0  }
0xb1: {  	_ =	task [dreg:s13], $0x5FFFF  }
0xb2: {  	[dreg:$0x1] =	wrdreg $0xFFFFFFFF  }
0xb3: {  	[dreg:$0x0] =	wrdreg $0x60  }
0xb4: {  	[dreg:$0x2] =	wrdreg s2  }
0xb5: {  	[dreg:$0x3] =	wrdreg s18  }
0xb6: {  	[dreg:$0x4] =	wrdreg s4  }
0xb7: {  	[dreg:$0x5] =	wrdreg s5  }
0xb8: {  	[dreg:$0x6] =	wrdreg s6  }
0xb9: {  	[dreg:$0x7] =	wrdreg s7  }
0xba: {  	[dreg:$0x8] =	wrdreg s24  }
0xbb: {  	[dreg:$0x9] =	wrdreg s8  }
0xbc: {  	[dreg:$0xa] =	wrdreg $0x9  }
0xbd: {  	_ =	task.clear_ibuf [dreg:s13], $0xBFFFF;
	_ =	strace $0x90000046  }
0xbe: {  	s29 =	simm.s32 $0x9;
	_ =	strace $0x80000048  }
0xbf: {  	_ =	swait.ge [sflag:s29], $0x1  }
0xc0: {  	[sflag:s29] =	ssyncadd.s32 $0xFFFFFFFF  }
0xc1: {  	_ =	strace $0x90000048  }
0xc2: {  	_ =	sfence  }
0xc3: {  	s30 =	sld [smem:$0x0];
	_ =	sdelay $0x2  }
0xc4: {  	s31 =	sshll.u32 s1, $0xD;
	s1 =	sshrl.u32 s1, $0x2  }
0xc5: {  	s3 =	sand.u32 $0x4000, s31;
	s1 =	sadd.s32 s1, s30  }
0xc6: {  	s0 =	sor.u32 s3, s0;
	s1 =	sshll.u32 s1, $0x11  }
0xc7: {  	s0 =	sor.u32 s1, s0  }
0xc8: {  	s0 =	sadd.s32 $0x8F2B, s0  }
0xc9: {  	[sflag:s0] =	ssyncadd.remote.s32 $0x1  }
0xca: {  	_ =	sfence.sel $0xFFFF  }
0xcb: {  	[dreg:$0x0] =	wrdreg $0xFFFFFFFF;
	(pc) =	sbr.abs _section_cstart, $3  }
0xcc: {  	[dreg:$0x1] =	wrdreg $0xFFFFFFFF  }
0xcd: {  	_ =	task.clear_ibuf [dreg:s13], $0x2FFFF;
	_ =	strace $0x9FFFFFFF  }
0xce: {  	(tm) =	ssettm $0x7FFFFFFF  }
0xcf: {  	_ =	shalt  }
tec
execute0_lowered:
.L_overlay_start_1:
0x0: {  	(tag) =	ssettag $0x1  }
0x1: {  	s0 =	rddreg [dreg:$0x0]  }
0x2: {  	s11 =	rddreg [dreg:$0x1]  }
0x3: {  	s1 =	rddreg [dreg:$0x2]  }
0x4: {  	s2 =	rddreg [dreg:$0x3]  }
0x5: {  	s7 =	rddreg [dreg:$0x6]  }
0x6: {  	s12 =	rddreg [dreg:$0x7];
	s6 =	simm.s32 $0x0  }
0x7: {  	s8 =	srdreg.scid;
	s3 =	stileid.u32;
	s16 =	simm.s32 $0x40  }
0x8: {  	s18 =	simm.s32 $0x6400;
	s19 =	simm.s32 $0x240;
	s20 =	simm.s32 $0xCA00  }
0x9: {  	s21 =	simm.s32 $0x2400;
	s22 =	simm.s32 $0x8400;
	s23 =	simm.s32 $0xC600  }
0xa: {  	v0 =	vlaneseq.u32;
	s24 =	simm.s32 $0xC800;
	s25 =	simm.s32 $0xCA80;
	s26 =	simm.s32 $0xC400  }
0xb: {  	s28 =	simm.s32 $0x5;
	s29 =	simm.s32 $0x0;
	s8 =	sand.u32 $0x1, s8;
	v0 =	vmul.u32 $0x10, v0  }
0xc: {  	[smem:$0x7FF] =	sst s6;
	s10 =	sshll.u32 s3, $0x7;
	s9 =	ssub.s32 $0x2, s8  }
0xd: {  	s7 =	sadd.s32 $0x400, s7;
	s8 =	sshll.u32 s8, $0x6;
	s13 =	sshrl.u32 s9, $0x1;
	v1 =	vor.u32 $0x1, v0;
	v2 =	vor.u32 $0x2, v0;
	v3 =	vor.u32 $0x3, v0  }
0xe: {  	_ =	strace $0x80000047;
	s14 =	sor.u32 s8, s10;
	v4 =	vor.u32 $0x4, v0;
	v5 =	vor.u32 $0x5, v0;
	v6 =	vor.u32 $0x6, v0;
	s13 =	ssub.s32 s9, s13  }
0xf: {  	v7 =	vor.u32 $0x7, v0;
	v8 =	vor.u32 $0x8, v0;
	v9 =	vor.u32 $0x9, v0;
	s15 =	sor.u32 $0x8, s14;
	s8 =	sadd.s32 s0, s14;
	s9 =	sadd.s32 s11, s14  }
0x10: {  	v10 =	vor.u32 $0xA, v0;
	v11 =	vor.u32 $0xB, v0;
	v12 =	vor.u32 $0xC, v0;
	s12 =	sadd.s32 s12, s14;
	s14 =	simm.s32 $0x200;
	s10 =	sadd.s32 s0, s15  }
0x11: {  	v13 =	vor.u32 $0xD, v0;
	v14 =	vor.u32 $0xE, v0;
	v15 =	vor.u32 $0xF, v0;
	s11 =	sadd.s32 s11, s15;
	s13 =	smax.u32 s13, $0x1;
	s15 =	simm.s32 $0x4  }
.LBB2_1:
0x12: {  	[tilespmem:s6], [sflag:$0x4] =	stream.linear.gather [hbm4b:s8+s6], $0x40, $0x38;
	[tilespmem:$0xCB80] =	vst v63  }
0x13: {  	_ = 	snop  }
0x14: {  	[tilespmem:s14], [sflag:$0x4] =	stream.linear.gather [hbm4b:s9+s6], $0x40, $0x38;
	[tilespmem:$0xCB80] =	vst v63  }
0x15: {  	_ =	swait.ge [sflag:s15], $0x40  }
0x16: {  	[sflag:s15] =	ssyncset.done $0x0  }
0x17: {  	[sflag:s15] =	ssyncadd.s32 $0xFFFFFFC0  }
0x18: {  	_ =	swait.ge [sflag:s15], $0x40  }
0x19: {  	[sflag:s15] =	ssyncset.done $0x0  }
0x1a: {  	s0 =	simm.s32 $0x400;
	[sflag:s15] =	ssyncadd.s32 $0xFFFFFFC0  }
0x1b: {  	[tilespmem:s0], [sflag:$0x1] =	stream.indirect.gather [hbm4b:s1+s16], $0x80, s6, s16, $0xb8;
	[tilespmem:$0xCB80] =	vst v63  }
0x1c: {  	_ = 	snop  }
0x1d: {  	[tilespmem:s18], [sflag:$0x1] =	stream.indirect.gather [hbm4b:s2+s16], $0x80, s14, s16, $0xb8;
	[tilespmem:$0xCB80] =	vst v63  }
0x1e: {  	_ = 	snop  }
0x1f: {  	[tilespmem:s16], [sflag:$0x4] =	stream.linear.gather [hbm4b:s10+s6], $0x1C0, $0x38;
	[tilespmem:$0xCB80] =	vst v63  }
0x20: {  	_ = 	snop  }
0x21: {  	[tilespmem:s19], [sflag:$0x4] =	stream.linear.gather [hbm4b:s11+s6], $0x1C0, $0x38;
	[tilespmem:$0xCB80] =	vst v63  }
0x22: {  	_ = 	snop  }
0x23: {  	[tilespmem:s20], [sflag:$0x4] =	stream.linear.gather [hbm4b:s7+s6], $0x80, $0x38;
	[tilespmem:$0xCB80] =	vst v63  }
0x24: {  	_ =	swait.ge [sflag:s15], $0x1C0  }
0x25: {  	[sflag:s15] =	ssyncset.done $0x0  }
0x26: {  	[sflag:s15] =	ssyncadd.s32 $0xFFFFFE40  }
0x27: {  	_ =	swait.ge [sflag:s15], $0x1C0  }
0x28: {  	[sflag:s15] =	ssyncset.done $0x0  }
0x29: {  	[sflag:s15] =	ssyncadd.s32 $0xFFFFFE40  }
0x2a: {  	[tilespmem:s21], [sflag:$0x2] =	stream.indirect.gather [hbm4b:s1+s16], $0x80, s16, s16, $0xb8;
	[tilespmem:$0xCB80] =	vst v63  }
0x2b: {  	_ = 	snop  }
0x2c: {  	[tilespmem:s22], [sflag:$0x2] =	stream.indirect.gather [hbm4b:s2+s16], $0x80, s19, s16, $0xb8;
	[tilespmem:$0xCB80] =	vst v63  }
0x2d: {  	s17 =	rddreg [dreg:$0x4]  }
0x2e: {  	[tilespmem:s23], [sflag:$0x4] =	stream.indirect.gather [hbm4b:s17+s14], $0x1, s6, s14, $0xb8;
	[tilespmem:$0xCB80] =	vst v63  }
0x2f: {  	s30 =	simm.s32 $0x0;
	s31 =	rddreg [dreg:$0x5]  }
0x30: {  	[tilespmem:s24], [sflag:$0x4] =	stream.indirect.gather [hbm4b:s31+s14], $0x1, s14, s14, $0xb8;
	[tilespmem:$0xCB80] =	vst v63  }
.LBB2_2:
0x31: {  	p0 =	sgt.u32 s30, $0x5  }
0x32: {  	s0 =	sadd.s32 @!p0 $0x2, s30  }
0x33: {  	s31 =	smul.u32 @!p0 $0xAB, s0;
	_ =	sdelay $0x1  }
0x34: {  	s5 =	smul.u32 $0xAB, s30;
	s31 =	sshrl.u32 @!p0 s31, $0x9  }
0x35: {  	s31 =	sand.u32 @!p0 $0x7F, s31  }
0x36: {  	s5 =	sshrl.u32 s5, $0x9;
	s31 =	smul.u32 @!p0 $0x3, s31  }
0x37: {  	s5 =	sand.u32 $0x7F, s5  }
0x38: {  	s5 =	smul.u32 $0x3, s5;
	s31 =	ssub.s32 @!p0 s0, s31  }
0x39: {  	s31 =	sand.u32 @!p0 $0xFF, s31  }
0x3a: {  	s17 =	simm.s32 @!p0 $0x40;
	s5 =	ssub.s32 s30, s5;
	s3 =	sshll.u32 @!p0 s31, $0xD  }
0x3b: {  	s0 =	sshll.u32 @!p0 s0, $0x6;
	s31 =	sadd.s32 @!p0 $0x1, s31;
	s4 =	sor.u32 @!p0 $0x400, s3  }
0x3c: {  	[tilespmem:s4], [sflag:s31] =	stream.indirect.gather @!p0 [hbm4b:s1+s17], $0x80, s0, s17, $0xb8;
	[tilespmem:$0xCB80] =	vst v63  }
0x3d: {  	s4 =	sand.u32 $0xFF, s5  }
0x3e: {  	s3 =	sadd.s32 @!p0 $0x6400, s3;
	s0 =	sadd.s32 @!p0 $0x200, s0;
	s5 =	sadd.s32 $0x1, s4  }
0x3f: {  	[tilespmem:s3], [sflag:s31] =	stream.indirect.gather @!p0 [hbm4b:s2+s17], $0x80, s0, s17, $0xb8;
	[tilespmem:$0xCB80] =	vst v63  }
0x40: {  	_ =	swait.ge [sflag:s5], $0x2000  }
0x41: {  	s4 =	sshll.u32 s4, $0xD;
	[sflag:s5] =	ssyncset.done $0x0  }
0x42: {  	s17 =	sshll.u32 s30, $0x6;
	v16 =	vmov s4;
	[sflag:s5] =	ssyncadd.s32 $0xFFFFE000  }
0x43: {  	s3 =	sand.u32 $0x3FFFFFC0, s17;
	_ =	swait.ge [sflag:s5], $0x2000  }
0x44: {  	s3 =	sadd.s32 $0xC400, s3;
	[sflag:s5] =	ssyncset.done $0x0  }
0x45: {  	s31 =	simm.s32 $0x0;
	v17 =	vmov s3;
	[sflag:s5] =	ssyncadd.s32 $0xFFFFE000  }
.LBB2_3:
0x46: {  	s0 =	sshll.u32 s31, $0xB  }
0x47: {  	v18 =	vld.idx.msk [tilespmem:v16+s0+$0x400 ss:$0x1], $0xffff  }
0x48: {  	v19 =	vld.idx.msk [tilespmem:v16+s0+$0x6400 ss:$0x1], $0xffff  }
0x49: {  	v20 =	vld.idx.msk [tilespmem:v16+s0+$0x410 ss:$0x1], $0xffff  }
0x4a: {  	v21 =	vld.idx.msk [tilespmem:v16+s0+$0x6410 ss:$0x1], $0xffff  }
0x4b: {  	v22 =	vld.idx.msk [tilespmem:v16+s0+$0x420 ss:$0x1], $0xffff  }
0x4c: {  	v23 =	vld.idx.msk [tilespmem:v16+s0+$0x6420 ss:$0x1], $0xffff  }
0x4d: {  	v24 =	vld.idx.msk [tilespmem:v16+s0+$0x430 ss:$0x1], $0xffff  }
0x4e: {  	v25 =	vld.idx.msk [tilespmem:v16+s0+$0x6430 ss:$0x1], $0xffff  }
0x4f: {  	v26 =	vld.idx.msk [tilespmem:v16+s0+$0x440 ss:$0x1], $0xffff  }
0x50: {  	v27 =	vld.idx.msk [tilespmem:v16+s0+$0x6440 ss:$0x1], $0xffff  }
0x51: {  	v28 =	vld.idx.msk [tilespmem:v16+s0+$0x450 ss:$0x1], $0xffff  }
0x52: {  	v29 =	vld.idx.msk [tilespmem:v16+s0+$0x6450 ss:$0x1], $0xffff  }
0x53: {  	v30 =	vld.idx.msk [tilespmem:v16+s0+$0x460 ss:$0x1], $0xffff  }
0x54: {  	v31 =	vld.idx.msk [tilespmem:v16+s0+$0x6460 ss:$0x1], $0xffff  }
0x55: {  	v32 =	vld.idx.msk [tilespmem:v16+s0+$0x470 ss:$0x1], $0xffff  }
0x56: {  	v33 =	vld.idx.msk [tilespmem:v16+s0+$0x6470 ss:$0x1], $0xffff;
	_ =	sdelay $0x1  }
0x57: {  	v18 =	vmul.f32 v19, v18;
	v19 =	vmul.f32 v21, v20  }
0x58: {  	v51 =	vmul.f32 v23, v22;
	v52 =	vmul.f32 v25, v24  }
0x59: {  	v53 =	vmul.f32 v27, v26;
	v54 =	vmul.f32 v29, v28  }
0x5a: {  	v55 =	vmul.f32 v31, v30;
	v56 =	vmul.f32 v33, v32  }
0x5b: {  	v18 =	vadd.f32 v19, v18;
	v19 =	vadd.f32 v52, v51  }
0x5c: {  	v57 =	vadd.f32 v54, v53;
	v58 =	vadd.f32 v56, v55;
	_ =	sdelay $0x1  }
0x5d: {  	v18 =	vadd.f32 v19, v18;
	v19 =	vadd.f32 v58, v57;
	_ =	sdelay $0x1  }
0x5e: {  	v18 =	vadd.f32 v19, v18;
	_ =	sdelay $0x1  }
0x5f: {  	[tilespmem:$0xCA80] =	vst v18  }
0x60: {  	v18 =	vld.idx.msk [tilespmem:v16+s0+$0x480 ss:$0x1], $0xffff  }
0x61: {  	v19 =	vld.idx.msk [tilespmem:v16+s0+$0x6480 ss:$0x1], $0xffff  }
0x62: {  	v59 =	vld.idx.msk [tilespmem:v16+s0+$0x490 ss:$0x1], $0xffff  }
0x63: {  	v60 =	vld.idx.msk [tilespmem:v16+s0+$0x6490 ss:$0x1], $0xffff  }
0x64: {  	v61 =	vld.idx.msk [tilespmem:v16+s0+$0x4A0 ss:$0x1], $0xffff  }
0x65: {  	v62 =	vld.idx.msk [tilespmem:v16+s0+$0x64A0 ss:$0x1], $0xffff  }
0x66: {  	v63 =	vld.idx.msk [tilespmem:v16+s0+$0x4B0 ss:$0x1], $0xffff  }
0x67: {  	v36 =	vld.idx.msk [tilespmem:v16+s0+$0x64B0 ss:$0x1], $0xffff  }
0x68: {  	v37 =	vld.idx.msk [tilespmem:v16+s0+$0x4C0 ss:$0x1], $0xffff  }
0x69: {  	v38 =	vld.idx.msk [tilespmem:v16+s0+$0x64C0 ss:$0x1], $0xffff  }
0x6a: {  	v39 =	vld.idx.msk [tilespmem:v16+s0+$0x4D0 ss:$0x1], $0xffff  }
0x6b: {  	v40 =	vld.idx.msk [tilespmem:v16+s0+$0x64D0 ss:$0x1], $0xffff  }
0x6c: {  	v41 =	vld.idx.msk [tilespmem:v16+s0+$0x4E0 ss:$0x1], $0xffff  }
0x6d: {  	v42 =	vld.idx.msk [tilespmem:v16+s0+$0x64E0 ss:$0x1], $0xffff  }
0x6e: {  	v43 =	vld.idx.msk [tilespmem:v16+s0+$0x4F0 ss:$0x1], $0xffff  }
0x6f: {  	v44 =	vld.idx.msk [tilespmem:v16+s0+$0x64F0 ss:$0x1], $0xffff;
	_ =	sdelay $0x1  }
0x70: {  	v18 =	vmul.f32 v19, v18;
	v19 =	vmul.f32 v60, v59  }
0x71: {  	v45 =	vmul.f32 v62, v61;
	v46 =	vmul.f32 v36, v63  }
0x72: {  	v47 =	vmul.f32 v38, v37;
	v48 =	vmul.f32 v40, v39  }
0x73: {  	v49 =	vmul.f32 v42, v41;
	v50 =	vmul.f32 v44, v43  }
0x74: {  	v18 =	vadd.f32 v19, v18;
	v19 =	vadd.f32 v46, v45  }
0x75: {  	v51 =	vadd.f32 v48, v47;
	v52 =	vadd.f32 v50, v49;
	_ =	sdelay $0x1  }
0x76: {  	v18 =	vadd.f32 v19, v18;
	v19 =	vadd.f32 v52, v51;
	_ =	sdelay $0x1  }
0x77: {  	v18 =	vadd.f32 v19, v18;
	_ =	sdelay $0x1  }
0x78: {  	[tilespmem:$0xCA90] =	vst v18  }
0x79: {  	v18 =	vld.idx.msk [tilespmem:v16+s0+$0x500 ss:$0x1], $0xffff  }
0x7a: {  	v19 =	vld.idx.msk [tilespmem:v16+s0+$0x6500 ss:$0x1], $0xffff  }
0x7b: {  	v53 =	vld.idx.msk [tilespmem:v16+s0+$0x510 ss:$0x1], $0xffff  }
0x7c: {  	v54 =	vld.idx.msk [tilespmem:v16+s0+$0x6510 ss:$0x1], $0xffff  }
0x7d: {  	v55 =	vld.idx.msk [tilespmem:v16+s0+$0x520 ss:$0x1], $0xffff  }
0x7e: {  	v56 =	vld.idx.msk [tilespmem:v16+s0+$0x6520 ss:$0x1], $0xffff  }
0x7f: {  	v57 =	vld.idx.msk [tilespmem:v16+s0+$0x530 ss:$0x1], $0xffff  }
0x80: {  	v58 =	vld.idx.msk [tilespmem:v16+s0+$0x6530 ss:$0x1], $0xffff  }
0x81: {  	v59 =	vld.idx.msk [tilespmem:v16+s0+$0x540 ss:$0x1], $0xffff  }
0x82: {  	v60 =	vld.idx.msk [tilespmem:v16+s0+$0x6540 ss:$0x1], $0xffff  }
0x83: {  	v61 =	vld.idx.msk [tilespmem:v16+s0+$0x550 ss:$0x1], $0xffff  }
0x84: {  	v62 =	vld.idx.msk [tilespmem:v16+s0+$0x6550 ss:$0x1], $0xffff  }
0x85: {  	v63 =	vld.idx.msk [tilespmem:v16+s0+$0x560 ss:$0x1], $0xffff  }
0x86: {  	v36 =	vld.idx.msk [tilespmem:v16+s0+$0x6560 ss:$0x1], $0xffff  }
0x87: {  	v37 =	vld.idx.msk [tilespmem:v16+s0+$0x570 ss:$0x1], $0xffff  }
0x88: {  	v38 =	vld.idx.msk [tilespmem:v16+s0+$0x6570 ss:$0x1], $0xffff;
	_ =	sdelay $0x1  }
0x89: {  	v18 =	vmul.f32 v19, v18;
	v19 =	vmul.f32 v54, v53  }
0x8a: {  	v39 =	vmul.f32 v56, v55;
	v40 =	vmul.f32 v58, v57  }
0x8b: {  	v41 =	vmul.f32 v60, v59;
	v42 =	vmul.f32 v62, v61  }
0x8c: {  	v43 =	vmul.f32 v36, v63;
	v44 =	vmul.f32 v38, v37  }
0x8d: {  	v18 =	vadd.f32 v19, v18;
	v19 =	vadd.f32 v40, v39  }
0x8e: {  	v45 =	vadd.f32 v42, v41;
	v46 =	vadd.f32 v44, v43;
	_ =	sdelay $0x1  }
0x8f: {  	v18 =	vadd.f32 v19, v18;
	v19 =	vadd.f32 v46, v45;
	_ =	sdelay $0x1  }
0x90: {  	v18 =	vadd.f32 v19, v18;
	_ =	sdelay $0x1  }
0x91: {  	[tilespmem:$0xCAA0] =	vst v18  }
0x92: {  	v18 =	vld.idx.msk [tilespmem:v16+s0+$0x580 ss:$0x1], $0xffff  }
0x93: {  	v19 =	vld.idx.msk [tilespmem:v16+s0+$0x6580 ss:$0x1], $0xffff  }
0x94: {  	v47 =	vld.idx.msk [tilespmem:v16+s0+$0x590 ss:$0x1], $0xffff  }
0x95: {  	v48 =	vld.idx.msk [tilespmem:v16+s0+$0x6590 ss:$0x1], $0xffff  }
0x96: {  	v49 =	vld.idx.msk [tilespmem:v16+s0+$0x5A0 ss:$0x1], $0xffff  }
0x97: {  	v50 =	vld.idx.msk [tilespmem:v16+s0+$0x65A0 ss:$0x1], $0xffff  }
0x98: {  	v51 =	vld.idx.msk [tilespmem:v16+s0+$0x5B0 ss:$0x1], $0xffff  }
0x99: {  	v52 =	vld.idx.msk [tilespmem:v16+s0+$0x65B0 ss:$0x1], $0xffff  }
0x9a: {  	v53 =	vld.idx.msk [tilespmem:v16+s0+$0x5C0 ss:$0x1], $0xffff  }
0x9b: {  	v54 =	vld.idx.msk [tilespmem:v16+s0+$0x65C0 ss:$0x1], $0xffff  }
0x9c: {  	v55 =	vld.idx.msk [tilespmem:v16+s0+$0x5D0 ss:$0x1], $0xffff  }
0x9d: {  	v56 =	vld.idx.msk [tilespmem:v16+s0+$0x65D0 ss:$0x1], $0xffff  }
0x9e: {  	v57 =	vld.idx.msk [tilespmem:v16+s0+$0x5E0 ss:$0x1], $0xffff  }
0x9f: {  	v58 =	vld.idx.msk [tilespmem:v16+s0+$0x65E0 ss:$0x1], $0xffff  }
0xa0: {  	v59 =	vld.idx.msk [tilespmem:v16+s0+$0x5F0 ss:$0x1], $0xffff  }
0xa1: {  	v60 =	vld.idx.msk [tilespmem:v16+s0+$0x65F0 ss:$0x1], $0xffff;
	_ =	sdelay $0x1  }
0xa2: {  	v18 =	vmul.f32 v19, v18;
	v19 =	vmul.f32 v48, v47  }
0xa3: {  	v61 =	vmul.f32 v50, v49;
	v62 =	vmul.f32 v52, v51  }
0xa4: {  	v63 =	vmul.f32 v54, v53;
	v29 =	vmul.f32 v56, v55  }
0xa5: {  	v31 =	vmul.f32 v58, v57;
	v34 =	vmul.f32 v60, v59  }
0xa6: {  	v18 =	vadd.f32 v19, v18;
	v19 =	vadd.f32 v62, v61  }
0xa7: {  	v35 =	vadd.f32 v29, v63;
	v36 =	vadd.f32 v34, v31;
	_ =	sdelay $0x1  }
0xa8: {  	v18 =	vadd.f32 v19, v18;
	v19 =	vadd.f32 v36, v35;
	_ =	sdelay $0x1  }
0xa9: {  	v18 =	vadd.f32 v19, v18;
	_ =	sdelay $0x1  }
0xaa: {  	[tilespmem:$0xCAB0] =	vst v18  }
0xab: {  	v18 =	vld.idx.msk [tilespmem:v16+s0+$0x600 ss:$0x1], $0xffff  }
0xac: {  	v19 =	vld.idx.msk [tilespmem:v16+s0+$0x6600 ss:$0x1], $0xffff  }
0xad: {  	v37 =	vld.idx.msk [tilespmem:v16+s0+$0x610 ss:$0x1], $0xffff  }
0xae: {  	v38 =	vld.idx.msk [tilespmem:v16+s0+$0x6610 ss:$0x1], $0xffff  }
0xaf: {  	v39 =	vld.idx.msk [tilespmem:v16+s0+$0x620 ss:$0x1], $0xffff  }
0xb0: {  	v40 =	vld.idx.msk [tilespmem:v16+s0+$0x6620 ss:$0x1], $0xffff  }
0xb1: {  	v41 =	vld.idx.msk [tilespmem:v16+s0+$0x630 ss:$0x1], $0xffff  }
0xb2: {  	v42 =	vld.idx.msk [tilespmem:v16+s0+$0x6630 ss:$0x1], $0xffff  }
0xb3: {  	v43 =	vld.idx.msk [tilespmem:v16+s0+$0x640 ss:$0x1], $0xffff  }
0xb4: {  	v44 =	vld.idx.msk [tilespmem:v16+s0+$0x6640 ss:$0x1], $0xffff  }
0xb5: {  	v45 =	vld.idx.msk [tilespmem:v16+s0+$0x650 ss:$0x1], $0xffff  }
0xb6: {  	v46 =	vld.idx.msk [tilespmem:v16+s0+$0x6650 ss:$0x1], $0xffff  }
0xb7: {  	v47 =	vld.idx.msk [tilespmem:v16+s0+$0x660 ss:$0x1], $0xffff  }
0xb8: {  	v48 =	vld.idx.msk [tilespmem:v16+s0+$0x6660 ss:$0x1], $0xffff  }
0xb9: {  	v49 =	vld.idx.msk [tilespmem:v16+s0+$0x670 ss:$0x1], $0xffff  }
0xba: {  	v50 =	vld.idx.msk [tilespmem:v16+s0+$0x6670 ss:$0x1], $0xffff;
	_ =	sdelay $0x1  }
0xbb: {  	v18 =	vmul.f32 v19, v18;
	v19 =	vmul.f32 v38, v37  }
0xbc: {  	v51 =	vmul.f32 v40, v39;
	v52 =	vmul.f32 v42, v41  }
0xbd: {  	v53 =	vmul.f32 v44, v43;
	v54 =	vmul.f32 v46, v45  }
0xbe: {  	v55 =	vmul.f32 v48, v47;
	v56 =	vmul.f32 v50, v49  }
0xbf: {  	v18 =	vadd.f32 v19, v18;
	v19 =	vadd.f32 v52, v51  }
0xc0: {  	v57 =	vadd.f32 v54, v53;
	v58 =	vadd.f32 v56, v55;
	_ =	sdelay $0x1  }
0xc1: {  	v18 =	vadd.f32 v19, v18;
	v19 =	vadd.f32 v58, v57;
	_ =	sdelay $0x1  }
0xc2: {  	v18 =	vadd.f32 v19, v18;
	_ =	sdelay $0x1  }
0xc3: {  	[tilespmem:$0xCAC0] =	vst v18  }
0xc4: {  	v18 =	vld.idx.msk [tilespmem:v16+s0+$0x680 ss:$0x1], $0xffff  }
0xc5: {  	v19 =	vld.idx.msk [tilespmem:v16+s0+$0x6680 ss:$0x1], $0xffff  }
0xc6: {  	v59 =	vld.idx.msk [tilespmem:v16+s0+$0x690 ss:$0x1], $0xffff  }
0xc7: {  	v60 =	vld.idx.msk [tilespmem:v16+s0+$0x6690 ss:$0x1], $0xffff  }
0xc8: {  	v61 =	vld.idx.msk [tilespmem:v16+s0+$0x6A0 ss:$0x1], $0xffff  }
0xc9: {  	v62 =	vld.idx.msk [tilespmem:v16+s0+$0x66A0 ss:$0x1], $0xffff  }
0xca: {  	v63 =	vld.idx.msk [tilespmem:v16+s0+$0x6B0 ss:$0x1], $0xffff  }
0xcb: {  	v36 =	vld.idx.msk [tilespmem:v16+s0+$0x66B0 ss:$0x1], $0xffff  }
0xcc: {  	v37 =	vld.idx.msk [tilespmem:v16+s0+$0x6C0 ss:$0x1], $0xffff  }
0xcd: {  	v38 =	vld.idx.msk [tilespmem:v16+s0+$0x66C0 ss:$0x1], $0xffff  }
0xce: {  	v39 =	vld.idx.msk [tilespmem:v16+s0+$0x6D0 ss:$0x1], $0xffff  }
0xcf: {  	v40 =	vld.idx.msk [tilespmem:v16+s0+$0x66D0 ss:$0x1], $0xffff  }
0xd0: {  	v41 =	vld.idx.msk [tilespmem:v16+s0+$0x6E0 ss:$0x1], $0xffff  }
0xd1: {  	v42 =	vld.idx.msk [tilespmem:v16+s0+$0x66E0 ss:$0x1], $0xffff  }
0xd2: {  	v43 =	vld.idx.msk [tilespmem:v16+s0+$0x6F0 ss:$0x1], $0xffff  }
0xd3: {  	v44 =	vld.idx.msk [tilespmem:v16+s0+$0x66F0 ss:$0x1], $0xffff;
	_ =	sdelay $0x1  }
0xd4: {  	v18 =	vmul.f32 v19, v18;
	v19 =	vmul.f32 v60, v59  }
0xd5: {  	v45 =	vmul.f32 v62, v61;
	v46 =	vmul.f32 v36, v63  }
0xd6: {  	v47 =	vmul.f32 v38, v37;
	v48 =	vmul.f32 v40, v39  }
0xd7: {  	v49 =	vmul.f32 v42, v41;
	v50 =	vmul.f32 v44, v43  }
0xd8: {  	v18 =	vadd.f32 v19, v18;
	v19 =	vadd.f32 v46, v45  }
0xd9: {  	v51 =	vadd.f32 v48, v47;
	v52 =	vadd.f32 v50, v49;
	_ =	sdelay $0x1  }
0xda: {  	v18 =	vadd.f32 v19, v18;
	v19 =	vadd.f32 v52, v51;
	_ =	sdelay $0x1  }
0xdb: {  	v18 =	vadd.f32 v19, v18;
	_ =	sdelay $0x1  }
0xdc: {  	[tilespmem:$0xCAD0] =	vst v18  }
0xdd: {  	v18 =	vld.idx.msk [tilespmem:v16+s0+$0x700 ss:$0x1], $0xffff  }
0xde: {  	v19 =	vld.idx.msk [tilespmem:v16+s0+$0x6700 ss:$0x1], $0xffff  }
0xdf: {  	v53 =	vld.idx.msk [tilespmem:v16+s0+$0x710 ss:$0x1], $0xffff  }
0xe0: {  	v54 =	vld.idx.msk [tilespmem:v16+s0+$0x6710 ss:$0x1], $0xffff  }
0xe1: {  	v55 =	vld.idx.msk [tilespmem:v16+s0+$0x720 ss:$0x1], $0xffff  }
0xe2: {  	v56 =	vld.idx.msk [tilespmem:v16+s0+$0x6720 ss:$0x1], $0xffff  }
0xe3: {  	v57 =	vld.idx.msk [tilespmem:v16+s0+$0x730 ss:$0x1], $0xffff  }
0xe4: {  	v58 =	vld.idx.msk [tilespmem:v16+s0+$0x6730 ss:$0x1], $0xffff  }
0xe5: {  	v59 =	vld.idx.msk [tilespmem:v16+s0+$0x740 ss:$0x1], $0xffff  }
0xe6: {  	v60 =	vld.idx.msk [tilespmem:v16+s0+$0x6740 ss:$0x1], $0xffff  }
0xe7: {  	v61 =	vld.idx.msk [tilespmem:v16+s0+$0x750 ss:$0x1], $0xffff  }
0xe8: {  	v62 =	vld.idx.msk [tilespmem:v16+s0+$0x6750 ss:$0x1], $0xffff  }
0xe9: {  	v63 =	vld.idx.msk [tilespmem:v16+s0+$0x760 ss:$0x1], $0xffff  }
0xea: {  	v36 =	vld.idx.msk [tilespmem:v16+s0+$0x6760 ss:$0x1], $0xffff  }
0xeb: {  	v37 =	vld.idx.msk [tilespmem:v16+s0+$0x770 ss:$0x1], $0xffff  }
0xec: {  	v38 =	vld.idx.msk [tilespmem:v16+s0+$0x6770 ss:$0x1], $0xffff;
	_ =	sdelay $0x1  }
0xed: {  	v18 =	vmul.f32 v19, v18;
	v19 =	vmul.f32 v54, v53  }
0xee: {  	v39 =	vmul.f32 v56, v55;
	v40 =	vmul.f32 v58, v57  }
0xef: {  	v41 =	vmul.f32 v60, v59;
	v42 =	vmul.f32 v62, v61  }
0xf0: {  	v43 =	vmul.f32 v36, v63;
	v44 =	vmul.f32 v38, v37  }
0xf1: {  	v18 =	vadd.f32 v19, v18;
	v19 =	vadd.f32 v40, v39  }
0xf2: {  	v45 =	vadd.f32 v42, v41;
	v46 =	vadd.f32 v44, v43;
	_ =	sdelay $0x1  }
0xf3: {  	v18 =	vadd.f32 v19, v18;
	v19 =	vadd.f32 v46, v45;
	_ =	sdelay $0x1  }
0xf4: {  	v18 =	vadd.f32 v19, v18;
	_ =	sdelay $0x1  }
0xf5: {  	[tilespmem:$0xCAE0] =	vst v18  }
0xf6: {  	v18 =	vld.idx.msk [tilespmem:v16+s0+$0x780 ss:$0x1], $0xffff  }
0xf7: {  	v19 =	vld.idx.msk [tilespmem:v16+s0+$0x6780 ss:$0x1], $0xffff  }
0xf8: {  	v47 =	vld.idx.msk [tilespmem:v16+s0+$0x790 ss:$0x1], $0xffff  }
0xf9: {  	v48 =	vld.idx.msk [tilespmem:v16+s0+$0x6790 ss:$0x1], $0xffff  }
0xfa: {  	v49 =	vld.idx.msk [tilespmem:v16+s0+$0x7A0 ss:$0x1], $0xffff  }
0xfb: {  	v50 =	vld.idx.msk [tilespmem:v16+s0+$0x67A0 ss:$0x1], $0xffff  }
0xfc: {  	v51 =	vld.idx.msk [tilespmem:v16+s0+$0x7B0 ss:$0x1], $0xffff  }
0xfd: {  	v52 =	vld.idx.msk [tilespmem:v16+s0+$0x67B0 ss:$0x1], $0xffff  }
0xfe: {  	v53 =	vld.idx.msk [tilespmem:v16+s0+$0x7C0 ss:$0x1], $0xffff  }
0xff: {  	v54 =	vld.idx.msk [tilespmem:v16+s0+$0x67C0 ss:$0x1], $0xffff  }
0x100: {  	v55 =	vld.idx.msk [tilespmem:v16+s0+$0x7D0 ss:$0x1], $0xffff  }
0x101: {  	v56 =	vld.idx.msk [tilespmem:v16+s0+$0x67D0 ss:$0x1], $0xffff  }
0x102: {  	v57 =	vld.idx.msk [tilespmem:v16+s0+$0x7E0 ss:$0x1], $0xffff  }
0x103: {  	v58 =	vld.idx.msk [tilespmem:v16+s0+$0x67E0 ss:$0x1], $0xffff  }
0x104: {  	v59 =	vld.idx.msk [tilespmem:v16+s0+$0x7F0 ss:$0x1], $0xffff  }
0x105: {  	v60 =	vld.idx.msk [tilespmem:v16+s0+$0x67F0 ss:$0x1], $0xffff;
	_ =	sdelay $0x1  }
0x106: {  	v18 =	vmul.f32 v19, v18;
	v19 =	vmul.f32 v48, v47  }
0x107: {  	v61 =	vmul.f32 v50, v49;
	v62 =	vmul.f32 v52, v51  }
0x108: {  	v63 =	vmul.f32 v54, v53;
	v29 =	vmul.f32 v56, v55  }
0x109: {  	v34 =	vmul.f32 v58, v57;
	v35 =	vmul.f32 v60, v59  }
0x10a: {  	v18 =	vadd.f32 v19, v18;
	v19 =	vadd.f32 v62, v61  }
0x10b: {  	v36 =	vadd.f32 v29, v63;
	v37 =	vadd.f32 v35, v34;
	_ =	sdelay $0x1  }
0x10c: {  	v18 =	vadd.f32 v19, v18;
	v19 =	vadd.f32 v37, v36;
	_ =	sdelay $0x1  }
0x10d: {  	v18 =	vadd.f32 v19, v18;
	_ =	sdelay $0x1  }
0x10e: {  	[tilespmem:$0xCAF0] =	vst v18  }
0x10f: {  	v18 =	vld.idx.msk [tilespmem:v16+s0+$0x800 ss:$0x1], $0xffff  }
0x110: {  	v19 =	vld.idx.msk [tilespmem:v16+s0+$0x6800 ss:$0x1], $0xffff  }
0x111: {  	v38 =	vld.idx.msk [tilespmem:v16+s0+$0x810 ss:$0x1], $0xffff  }
0x112: {  	v39 =	vld.idx.msk [tilespmem:v16+s0+$0x6810 ss:$0x1], $0xffff  }
0x113: {  	v40 =	vld.idx.msk [tilespmem:v16+s0+$0x820 ss:$0x1], $0xffff  }
0x114: {  	v41 =	vld.idx.msk [tilespmem:v16+s0+$0x6820 ss:$0x1], $0xffff  }
0x115: {  	v42 =	vld.idx.msk [tilespmem:v16+s0+$0x830 ss:$0x1], $0xffff  }
0x116: {  	v43 =	vld.idx.msk [tilespmem:v16+s0+$0x6830 ss:$0x1], $0xffff  }
0x117: {  	v44 =	vld.idx.msk [tilespmem:v16+s0+$0x840 ss:$0x1], $0xffff  }
0x118: {  	v45 =	vld.idx.msk [tilespmem:v16+s0+$0x6840 ss:$0x1], $0xffff  }
0x119: {  	v46 =	vld.idx.msk [tilespmem:v16+s0+$0x850 ss:$0x1], $0xffff  }
0x11a: {  	v47 =	vld.idx.msk [tilespmem:v16+s0+$0x6850 ss:$0x1], $0xffff  }
0x11b: {  	v48 =	vld.idx.msk [tilespmem:v16+s0+$0x860 ss:$0x1], $0xffff  }
0x11c: {  	v49 =	vld.idx.msk [tilespmem:v16+s0+$0x6860 ss:$0x1], $0xffff  }
0x11d: {  	v50 =	vld.idx.msk [tilespmem:v16+s0+$0x870 ss:$0x1], $0xffff  }
0x11e: {  	v51 =	vld.idx.msk [tilespmem:v16+s0+$0x6870 ss:$0x1], $0xffff;
	_ =	sdelay $0x1  }
0x11f: {  	v18 =	vmul.f32 v19, v18;
	v19 =	vmul.f32 v39, v38  }
0x120: {  	v52 =	vmul.f32 v41, v40;
	v53 =	vmul.f32 v43, v42  }
0x121: {  	v54 =	vmul.f32 v45, v44;
	v55 =	vmul.f32 v47, v46  }
0x122: {  	v56 =	vmul.f32 v49, v48;
	v57 =	vmul.f32 v51, v50  }
0x123: {  	v18 =	vadd.f32 v19, v18;
	v19 =	vadd.f32 v53, v52  }
0x124: {  	v58 =	vadd.f32 v55, v54;
	v59 =	vadd.f32 v57, v56;
	_ =	sdelay $0x1  }
0x125: {  	v18 =	vadd.f32 v19, v18;
	v19 =	vadd.f32 v59, v58;
	_ =	sdelay $0x1  }
0x126: {  	v18 =	vadd.f32 v19, v18;
	_ =	sdelay $0x1  }
0x127: {  	[tilespmem:$0xCB00] =	vst v18  }
0x128: {  	v18 =	vld.idx.msk [tilespmem:v16+s0+$0x880 ss:$0x1], $0xffff  }
0x129: {  	v19 =	vld.idx.msk [tilespmem:v16+s0+$0x6880 ss:$0x1], $0xffff  }
0x12a: {  	v60 =	vld.idx.msk [tilespmem:v16+s0+$0x890 ss:$0x1], $0xffff  }
0x12b: {  	v61 =	vld.idx.msk [tilespmem:v16+s0+$0x6890 ss:$0x1], $0xffff  }
0x12c: {  	v62 =	vld.idx.msk [tilespmem:v16+s0+$0x8A0 ss:$0x1], $0xffff  }
0x12d: {  	v63 =	vld.idx.msk [tilespmem:v16+s0+$0x68A0 ss:$0x1], $0xffff  }
0x12e: {  	v36 =	vld.idx.msk [tilespmem:v16+s0+$0x8B0 ss:$0x1], $0xffff  }
0x12f: {  	v37 =	vld.idx.msk [tilespmem:v16+s0+$0x68B0 ss:$0x1], $0xffff  }
0x130: {  	v38 =	vld.idx.msk [tilespmem:v16+s0+$0x8C0 ss:$0x1], $0xffff  }
0x131: {  	v39 =	vld.idx.msk [tilespmem:v16+s0+$0x68C0 ss:$0x1], $0xffff  }
0x132: {  	v40 =	vld.idx.msk [tilespmem:v16+s0+$0x8D0 ss:$0x1], $0xffff  }
0x133: {  	v41 =	vld.idx.msk [tilespmem:v16+s0+$0x68D0 ss:$0x1], $0xffff  }
0x134: {  	v42 =	vld.idx.msk [tilespmem:v16+s0+$0x8E0 ss:$0x1], $0xffff  }
0x135: {  	v43 =	vld.idx.msk [tilespmem:v16+s0+$0x68E0 ss:$0x1], $0xffff  }
0x136: {  	v44 =	vld.idx.msk [tilespmem:v16+s0+$0x8F0 ss:$0x1], $0xffff  }
0x137: {  	v45 =	vld.idx.msk [tilespmem:v16+s0+$0x68F0 ss:$0x1], $0xffff;
	_ =	sdelay $0x1  }
0x138: {  	v18 =	vmul.f32 v19, v18;
	v19 =	vmul.f32 v61, v60  }
0x139: {  	v46 =	vmul.f32 v63, v62;
	v47 =	vmul.f32 v37, v36  }
0x13a: {  	v48 =	vmul.f32 v39, v38;
	v49 =	vmul.f32 v41, v40  }
0x13b: {  	v50 =	vmul.f32 v43, v42;
	v51 =	vmul.f32 v45, v44  }
0x13c: {  	v18 =	vadd.f32 v19, v18;
	v19 =	vadd.f32 v47, v46  }
0x13d: {  	v52 =	vadd.f32 v49, v48;
	v53 =	vadd.f32 v51, v50;
	_ =	sdelay $0x1  }
0x13e: {  	v18 =	vadd.f32 v19, v18;
	v19 =	vadd.f32 v53, v52;
	_ =	sdelay $0x1  }
0x13f: {  	v18 =	vadd.f32 v19, v18;
	_ =	sdelay $0x1  }
0x140: {  	[tilespmem:$0xCB10] =	vst v18  }
0x141: {  	v18 =	vld.idx.msk [tilespmem:v16+s0+$0x900 ss:$0x1], $0xffff  }
0x142: {  	v19 =	vld.idx.msk [tilespmem:v16+s0+$0x6900 ss:$0x1], $0xffff  }
0x143: {  	v54 =	vld.idx.msk [tilespmem:v16+s0+$0x910 ss:$0x1], $0xffff  }
0x144: {  	v55 =	vld.idx.msk [tilespmem:v16+s0+$0x6910 ss:$0x1], $0xffff  }
0x145: {  	v56 =	vld.idx.msk [tilespmem:v16+s0+$0x920 ss:$0x1], $0xffff  }
0x146: {  	v57 =	vld.idx.msk [tilespmem:v16+s0+$0x6920 ss:$0x1], $0xffff  }
0x147: {  	v58 =	vld.idx.msk [tilespmem:v16+s0+$0x930 ss:$0x1], $0xffff  }
0x148: {  	v59 =	vld.idx.msk [tilespmem:v16+s0+$0x6930 ss:$0x1], $0xffff  }
0x149: {  	v60 =	vld.idx.msk [tilespmem:v16+s0+$0x940 ss:$0x1], $0xffff  }
0x14a: {  	v61 =	vld.idx.msk [tilespmem:v16+s0+$0x6940 ss:$0x1], $0xffff  }
0x14b: {  	v62 =	vld.idx.msk [tilespmem:v16+s0+$0x950 ss:$0x1], $0xffff  }
0x14c: {  	v63 =	vld.idx.msk [tilespmem:v16+s0+$0x6950 ss:$0x1], $0xffff  }
0x14d: {  	v36 =	vld.idx.msk [tilespmem:v16+s0+$0x960 ss:$0x1], $0xffff  }
0x14e: {  	v37 =	vld.idx.msk [tilespmem:v16+s0+$0x6960 ss:$0x1], $0xffff  }
0x14f: {  	v38 =	vld.idx.msk [tilespmem:v16+s0+$0x970 ss:$0x1], $0xffff  }
0x150: {  	v39 =	vld.idx.msk [tilespmem:v16+s0+$0x6970 ss:$0x1], $0xffff;
	_ =	sdelay $0x1  }
0x151: {  	v18 =	vmul.f32 v19, v18;
	v19 =	vmul.f32 v55, v54  }
0x152: {  	v40 =	vmul.f32 v57, v56;
	v41 =	vmul.f32 v59, v58  }
0x153: {  	v42 =	vmul.f32 v61, v60;
	v43 =	vmul.f32 v63, v62  }
0x154: {  	v44 =	vmul.f32 v37, v36;
	v45 =	vmul.f32 v39, v38  }
0x155: {  	v18 =	vadd.f32 v19, v18;
	v19 =	vadd.f32 v41, v40  }
0x156: {  	v46 =	vadd.f32 v43, v42;
	v47 =	vadd.f32 v45, v44;
	_ =	sdelay $0x1  }
0x157: {  	v18 =	vadd.f32 v19, v18;
	v19 =	vadd.f32 v47, v46;
	_ =	sdelay $0x1  }
0x158: {  	v18 =	vadd.f32 v19, v18;
	_ =	sdelay $0x1  }
0x159: {  	[tilespmem:$0xCB20] =	vst v18  }
0x15a: {  	v18 =	vld.idx.msk [tilespmem:v16+s0+$0x980 ss:$0x1], $0xffff  }
0x15b: {  	v19 =	vld.idx.msk [tilespmem:v16+s0+$0x6980 ss:$0x1], $0xffff  }
0x15c: {  	v48 =	vld.idx.msk [tilespmem:v16+s0+$0x990 ss:$0x1], $0xffff  }
0x15d: {  	v49 =	vld.idx.msk [tilespmem:v16+s0+$0x6990 ss:$0x1], $0xffff  }
0x15e: {  	v50 =	vld.idx.msk [tilespmem:v16+s0+$0x9A0 ss:$0x1], $0xffff  }
0x15f: {  	v51 =	vld.idx.msk [tilespmem:v16+s0+$0x69A0 ss:$0x1], $0xffff  }
0x160: {  	v52 =	vld.idx.msk [tilespmem:v16+s0+$0x9B0 ss:$0x1], $0xffff  }
0x161: {  	v53 =	vld.idx.msk [tilespmem:v16+s0+$0x69B0 ss:$0x1], $0xffff  }
0x162: {  	v54 =	vld.idx.msk [tilespmem:v16+s0+$0x9C0 ss:$0x1], $0xffff  }
0x163: {  	v55 =	vld.idx.msk [tilespmem:v16+s0+$0x69C0 ss:$0x1], $0xffff  }
0x164: {  	v56 =	vld.idx.msk [tilespmem:v16+s0+$0x9D0 ss:$0x1], $0xffff  }
0x165: {  	v57 =	vld.idx.msk [tilespmem:v16+s0+$0x69D0 ss:$0x1], $0xffff  }
0x166: {  	v58 =	vld.idx.msk [tilespmem:v16+s0+$0x9E0 ss:$0x1], $0xffff  }
0x167: {  	v59 =	vld.idx.msk [tilespmem:v16+s0+$0x69E0 ss:$0x1], $0xffff  }
0x168: {  	v60 =	vld.idx.msk [tilespmem:v16+s0+$0x9F0 ss:$0x1], $0xffff  }
0x169: {  	v61 =	vld.idx.msk [tilespmem:v16+s0+$0x69F0 ss:$0x1], $0xffff;
	_ =	sdelay $0x1  }
0x16a: {  	v18 =	vmul.f32 v19, v18;
	v19 =	vmul.f32 v49, v48  }
0x16b: {  	v62 =	vmul.f32 v51, v50;
	v63 =	vmul.f32 v53, v52  }
0x16c: {  	v34 =	vmul.f32 v55, v54;
	v35 =	vmul.f32 v57, v56  }
0x16d: {  	v36 =	vmul.f32 v59, v58;
	v37 =	vmul.f32 v61, v60  }
0x16e: {  	v18 =	vadd.f32 v19, v18;
	v19 =	vadd.f32 v63, v62  }
0x16f: {  	v38 =	vadd.f32 v35, v34;
	v39 =	vadd.f32 v37, v36;
	_ =	sdelay $0x1  }
0x170: {  	v18 =	vadd.f32 v19, v18;
	v19 =	vadd.f32 v39, v38;
	_ =	sdelay $0x1  }
0x171: {  	v18 =	vadd.f32 v19, v18;
	_ =	sdelay $0x1  }
0x172: {  	[tilespmem:$0xCB30] =	vst v18  }
0x173: {  	v18 =	vld.idx.msk [tilespmem:v16+s0+$0xA00 ss:$0x1], $0xffff  }
0x174: {  	v19 =	vld.idx.msk [tilespmem:v16+s0+$0x6A00 ss:$0x1], $0xffff  }
0x175: {  	v40 =	vld.idx.msk [tilespmem:v16+s0+$0xA10 ss:$0x1], $0xffff  }
0x176: {  	v41 =	vld.idx.msk [tilespmem:v16+s0+$0x6A10 ss:$0x1], $0xffff  }
0x177: {  	v42 =	vld.idx.msk [tilespmem:v16+s0+$0xA20 ss:$0x1], $0xffff  }
0x178: {  	v43 =	vld.idx.msk [tilespmem:v16+s0+$0x6A20 ss:$0x1], $0xffff  }
0x179: {  	v44 =	vld.idx.msk [tilespmem:v16+s0+$0xA30 ss:$0x1], $0xffff  }
0x17a: {  	v45 =	vld.idx.msk [tilespmem:v16+s0+$0x6A30 ss:$0x1], $0xffff  }
0x17b: {  	v46 =	vld.idx.msk [tilespmem:v16+s0+$0xA40 ss:$0x1], $0xffff  }
0x17c: {  	v47 =	vld.idx.msk [tilespmem:v16+s0+$0x6A40 ss:$0x1], $0xffff  }
0x17d: {  	v48 =	vld.idx.msk [tilespmem:v16+s0+$0xA50 ss:$0x1], $0xffff  }
0x17e: {  	v49 =	vld.idx.msk [tilespmem:v16+s0+$0x6A50 ss:$0x1], $0xffff  }
0x17f: {  	v50 =	vld.idx.msk [tilespmem:v16+s0+$0xA60 ss:$0x1], $0xffff  }
0x180: {  	v51 =	vld.idx.msk [tilespmem:v16+s0+$0x6A60 ss:$0x1], $0xffff  }
0x181: {  	v52 =	vld.idx.msk [tilespmem:v16+s0+$0xA70 ss:$0x1], $0xffff  }
0x182: {  	v53 =	vld.idx.msk [tilespmem:v16+s0+$0x6A70 ss:$0x1], $0xffff;
	_ =	sdelay $0x1  }
0x183: {  	v18 =	vmul.f32 v19, v18;
	v19 =	vmul.f32 v41, v40  }
0x184: {  	v54 =	vmul.f32 v43, v42;
	v55 =	vmul.f32 v45, v44  }
0x185: {  	v56 =	vmul.f32 v47, v46;
	v57 =	vmul.f32 v49, v48  }
0x186: {  	v58 =	vmul.f32 v51, v50;
	v59 =	vmul.f32 v53, v52  }
0x187: {  	v18 =	vadd.f32 v19, v18;
	v19 =	vadd.f32 v55, v54  }
0x188: {  	v60 =	vadd.f32 v57, v56;
	v61 =	vadd.f32 v59, v58;
	_ =	sdelay $0x1  }
0x189: {  	v18 =	vadd.f32 v19, v18;
	v19 =	vadd.f32 v61, v60;
	_ =	sdelay $0x1  }
0x18a: {  	v18 =	vadd.f32 v19, v18;
	_ =	sdelay $0x1  }
0x18b: {  	[tilespmem:$0xCB40] =	vst v18  }
0x18c: {  	v18 =	vld.idx.msk [tilespmem:v16+s0+$0xA80 ss:$0x1], $0xffff  }
0x18d: {  	v19 =	vld.idx.msk [tilespmem:v16+s0+$0x6A80 ss:$0x1], $0xffff  }
0x18e: {  	v62 =	vld.idx.msk [tilespmem:v16+s0+$0xA90 ss:$0x1], $0xffff  }
0x18f: {  	v63 =	vld.idx.msk [tilespmem:v16+s0+$0x6A90 ss:$0x1], $0xffff  }
0x190: {  	v36 =	vld.idx.msk [tilespmem:v16+s0+$0xAA0 ss:$0x1], $0xffff  }
0x191: {  	v37 =	vld.idx.msk [tilespmem:v16+s0+$0x6AA0 ss:$0x1], $0xffff  }
0x192: {  	v38 =	vld.idx.msk [tilespmem:v16+s0+$0xAB0 ss:$0x1], $0xffff  }
0x193: {  	v39 =	vld.idx.msk [tilespmem:v16+s0+$0x6AB0 ss:$0x1], $0xffff  }
0x194: {  	v40 =	vld.idx.msk [tilespmem:v16+s0+$0xAC0 ss:$0x1], $0xffff  }
0x195: {  	v41 =	vld.idx.msk [tilespmem:v16+s0+$0x6AC0 ss:$0x1], $0xffff  }
0x196: {  	v42 =	vld.idx.msk [tilespmem:v16+s0+$0xAD0 ss:$0x1], $0xffff  }
0x197: {  	v43 =	vld.idx.msk [tilespmem:v16+s0+$0x6AD0 ss:$0x1], $0xffff  }
0x198: {  	v44 =	vld.idx.msk [tilespmem:v16+s0+$0xAE0 ss:$0x1], $0xffff  }
0x199: {  	v45 =	vld.idx.msk [tilespmem:v16+s0+$0x6AE0 ss:$0x1], $0xffff  }
0x19a: {  	v46 =	vld.idx.msk [tilespmem:v16+s0+$0xAF0 ss:$0x1], $0xffff  }
0x19b: {  	v47 =	vld.idx.msk [tilespmem:v16+s0+$0x6AF0 ss:$0x1], $0xffff;
	_ =	sdelay $0x1  }
0x19c: {  	v18 =	vmul.f32 v19, v18;
	v19 =	vmul.f32 v63, v62  }
0x19d: {  	v48 =	vmul.f32 v37, v36;
	v49 =	vmul.f32 v39, v38  }
0x19e: {  	v50 =	vmul.f32 v41, v40;
	v51 =	vmul.f32 v43, v42  }
0x19f: {  	v52 =	vmul.f32 v45, v44;
	v53 =	vmul.f32 v47, v46  }
0x1a0: {  	v18 =	vadd.f32 v19, v18;
	v19 =	vadd.f32 v49, v48  }
0x1a1: {  	v54 =	vadd.f32 v51, v50;
	v55 =	vadd.f32 v53, v52;
	_ =	sdelay $0x1  }
0x1a2: {  	v18 =	vadd.f32 v19, v18;
	v19 =	vadd.f32 v55, v54;
	_ =	sdelay $0x1  }
0x1a3: {  	v18 =	vadd.f32 v19, v18;
	_ =	sdelay $0x1  }
0x1a4: {  	[tilespmem:$0xCB50] =	vst v18  }
0x1a5: {  	v18 =	vld.idx.msk [tilespmem:v16+s0+$0xB00 ss:$0x1], $0xffff  }
0x1a6: {  	v19 =	vld.idx.msk [tilespmem:v16+s0+$0x6B00 ss:$0x1], $0xffff  }
0x1a7: {  	v56 =	vld.idx.msk [tilespmem:v16+s0+$0xB10 ss:$0x1], $0xffff  }
0x1a8: {  	v57 =	vld.idx.msk [tilespmem:v16+s0+$0x6B10 ss:$0x1], $0xffff  }
0x1a9: {  	v58 =	vld.idx.msk [tilespmem:v16+s0+$0xB20 ss:$0x1], $0xffff  }
0x1aa: {  	v59 =	vld.idx.msk [tilespmem:v16+s0+$0x6B20 ss:$0x1], $0xffff  }
0x1ab: {  	v60 =	vld.idx.msk [tilespmem:v16+s0+$0xB30 ss:$0x1], $0xffff  }
0x1ac: {  	v61 =	vld.idx.msk [tilespmem:v16+s0+$0x6B30 ss:$0x1], $0xffff  }
0x1ad: {  	v62 =	vld.idx.msk [tilespmem:v16+s0+$0xB40 ss:$0x1], $0xffff  }
0x1ae: {  	v63 =	vld.idx.msk [tilespmem:v16+s0+$0x6B40 ss:$0x1], $0xffff  }
0x1af: {  	v36 =	vld.idx.msk [tilespmem:v16+s0+$0xB50 ss:$0x1], $0xffff  }
0x1b0: {  	v37 =	vld.idx.msk [tilespmem:v16+s0+$0x6B50 ss:$0x1], $0xffff  }
0x1b1: {  	v38 =	vld.idx.msk [tilespmem:v16+s0+$0xB60 ss:$0x1], $0xffff  }
0x1b2: {  	v39 =	vld.idx.msk [tilespmem:v16+s0+$0x6B60 ss:$0x1], $0xffff  }
0x1b3: {  	v40 =	vld.idx.msk [tilespmem:v16+s0+$0xB70 ss:$0x1], $0xffff  }
0x1b4: {  	v41 =	vld.idx.msk [tilespmem:v16+s0+$0x6B70 ss:$0x1], $0xffff;
	_ =	sdelay $0x1  }
0x1b5: {  	v18 =	vmul.f32 v19, v18;
	v19 =	vmul.f32 v57, v56  }
0x1b6: {  	v42 =	vmul.f32 v59, v58;
	v43 =	vmul.f32 v61, v60  }
0x1b7: {  	v44 =	vmul.f32 v63, v62;
	v45 =	vmul.f32 v37, v36  }
0x1b8: {  	v46 =	vmul.f32 v39, v38;
	v47 =	vmul.f32 v41, v40  }
0x1b9: {  	v18 =	vadd.f32 v19, v18;
	v19 =	vadd.f32 v43, v42  }
0x1ba: {  	v48 =	vadd.f32 v45, v44;
	v49 =	vadd.f32 v47, v46;
	_ =	sdelay $0x1  }
0x1bb: {  	v18 =	vadd.f32 v19, v18;
	v19 =	vadd.f32 v49, v48;
	_ =	sdelay $0x1  }
0x1bc: {  	v18 =	vadd.f32 v19, v18;
	_ =	sdelay $0x1  }
0x1bd: {  	[tilespmem:$0xCB60] =	vst v18  }
0x1be: {  	v18 =	vld.idx.msk [tilespmem:v16+s0+$0xB80 ss:$0x1], $0xffff  }
0x1bf: {  	v19 =	vld.idx.msk [tilespmem:v16+s0+$0x6B80 ss:$0x1], $0xffff  }
0x1c0: {  	v50 =	vld.idx.msk [tilespmem:v16+s0+$0xB90 ss:$0x1], $0xffff  }
0x1c1: {  	v51 =	vld.idx.msk [tilespmem:v16+s0+$0x6B90 ss:$0x1], $0xffff  }
0x1c2: {  	v52 =	vld.idx.msk [tilespmem:v16+s0+$0xBA0 ss:$0x1], $0xffff  }
0x1c3: {  	v53 =	vld.idx.msk [tilespmem:v16+s0+$0x6BA0 ss:$0x1], $0xffff  }
0x1c4: {  	v54 =	vld.idx.msk [tilespmem:v16+s0+$0xBB0 ss:$0x1], $0xffff  }
0x1c5: {  	v55 =	vld.idx.msk [tilespmem:v16+s0+$0x6BB0 ss:$0x1], $0xffff  }
0x1c6: {  	v56 =	vld.idx.msk [tilespmem:v16+s0+$0xBC0 ss:$0x1], $0xffff  }
0x1c7: {  	v57 =	vld.idx.msk [tilespmem:v16+s0+$0x6BC0 ss:$0x1], $0xffff  }
0x1c8: {  	v58 =	vld.idx.msk [tilespmem:v16+s0+$0xBD0 ss:$0x1], $0xffff  }
0x1c9: {  	v59 =	vld.idx.msk [tilespmem:v16+s0+$0x6BD0 ss:$0x1], $0xffff  }
0x1ca: {  	v60 =	vld.idx.msk [tilespmem:v16+s0+$0xBE0 ss:$0x1], $0xffff  }
0x1cb: {  	v61 =	vld.idx.msk [tilespmem:v16+s0+$0x6BE0 ss:$0x1], $0xffff  }
0x1cc: {  	v62 =	vld.idx.msk [tilespmem:v16+s0+$0xBF0 ss:$0x1], $0xffff  }
0x1cd: {  	v63 =	vld.idx.msk [tilespmem:v16+s0+$0x6BF0 ss:$0x1], $0xffff;
	_ =	sdelay $0x1  }
0x1ce: {  	v18 =	vmul.f32 v19, v18;
	v19 =	vmul.f32 v51, v50  }
0x1cf: {  	v34 =	vmul.f32 v53, v52;
	v35 =	vmul.f32 v55, v54  }
0x1d0: {  	v36 =	vmul.f32 v57, v56;
	v37 =	vmul.f32 v59, v58  }
0x1d1: {  	v38 =	vmul.f32 v61, v60;
	v39 =	vmul.f32 v63, v62  }
0x1d2: {  	v18 =	vadd.f32 v19, v18;
	v19 =	vadd.f32 v35, v34  }
0x1d3: {  	v40 =	vadd.f32 v37, v36;
	v41 =	vadd.f32 v39, v38;
	_ =	sdelay $0x1  }
0x1d4: {  	v18 =	vadd.f32 v19, v18;
	v19 =	vadd.f32 v41, v40;
	_ =	sdelay $0x1  }
0x1d5: {  	v18 =	vadd.f32 v19, v18;
	_ =	sdelay $0x1  }
0x1d6: {  	[tilespmem:$0xCB70] =	vst v18  }
0x1d7: {  	v18 =	vld.idx.msk [tilespmem:v0+s25+$0x0], $0xffff  }
0x1d8: {  	v19 =	vld.idx.msk [tilespmem:v1+s25+$0x0], $0xffff  }
0x1d9: {  	v42 =	vld.idx.msk [tilespmem:v2+s25+$0x0], $0xffff  }
0x1da: {  	v43 =	vld.idx.msk [tilespmem:v3+s25+$0x0], $0xffff  }
0x1db: {  	v44 =	vld.idx.msk [tilespmem:v4+s25+$0x0], $0xffff  }
0x1dc: {  	v45 =	vld.idx.msk [tilespmem:v5+s25+$0x0], $0xffff  }
0x1dd: {  	v46 =	vld.idx.msk [tilespmem:v6+s25+$0x0], $0xffff  }
0x1de: {  	v47 =	vld.idx.msk [tilespmem:v7+s25+$0x0], $0xffff  }
0x1df: {  	v48 =	vld.idx.msk [tilespmem:v8+s25+$0x0], $0xffff  }
0x1e0: {  	v49 =	vld.idx.msk [tilespmem:v9+s25+$0x0], $0xffff  }
0x1e1: {  	v50 =	vld.idx.msk [tilespmem:v10+s25+$0x0], $0xffff  }
0x1e2: {  	v51 =	vld.idx.msk [tilespmem:v11+s25+$0x0], $0xffff  }
0x1e3: {  	v52 =	vld.idx.msk [tilespmem:v12+s25+$0x0], $0xffff  }
0x1e4: {  	v53 =	vld.idx.msk [tilespmem:v13+s25+$0x0], $0xffff  }
0x1e5: {  	v54 =	vld.idx.msk [tilespmem:v14+s25+$0x0], $0xffff  }
0x1e6: {  	v55 =	vld.idx.msk [tilespmem:v15+s25+$0x0], $0xffff;
	_ =	sdelay $0x1  }
0x1e7: {  	v18 =	vadd.f32 v19, v18;
	v19 =	vadd.f32 v43, v42  }
0x1e8: {  	v56 =	vadd.f32 v45, v44;
	v57 =	vadd.f32 v47, v46  }
0x1e9: {  	v58 =	vadd.f32 v49, v48;
	v59 =	vadd.f32 v51, v50  }
0x1ea: {  	v60 =	vadd.f32 v53, v52;
	v61 =	vadd.f32 v55, v54  }
0x1eb: {  	v18 =	vadd.f32 v19, v18;
	v19 =	vadd.f32 v57, v56  }
0x1ec: {  	v62 =	vadd.f32 v59, v58;
	v63 =	vadd.f32 v61, v60  }
0x1ed: {  	p0 =	sne.s32 s31, $0x3  }
.Ltmp0:
0x1ee: {  	v18 =	vadd.f32 v19, v18;
	v19 =	vadd.f32 v63, v62;
	(pc) =	sbr.rel @p0 .LBB2_3-.Ltmp0, $4  }
0x1ef: {  	_ = 	snop  }
0x1f0: {  	s17 =	sshll.u32 s31, $0x4;
	v18 =	vadd.f32 v19, v18  }
0x1f1: {  	s0 =	sand.u32 $0x3FFFFFF0, s17  }
0x1f2: {  	s31 =	sadd.s32 $0x1, s31;
	[tilespmem:v17+s0+$0x0 ss:$0x1] =	vst.idx.msk $0xffff, v18  }
0x1f3: {  	s30 =	sadd.s32 $0x1, s30  }
0x1f4: {  	p0 =	sne.s32 s30, $0x8  }
.Ltmp1:
0x1f5: {  	_ = 	snop;
	(pc) =	sbr.rel @p0 .LBB2_2-.Ltmp1, $1  }
0x1f6: {  	_ =	sdelay $0x3  }
0x1f7: {  	_ =	swait.ge [sflag:s15], $0x80  }
0x1f8: {  	[sflag:s15] =	ssyncset.done $0x0  }
0x1f9: {  	[sflag:s15] =	ssyncadd.s32 $0xFFFFFF80  }
0x1fa: {  	_ =	swait.ge [sflag:s15], $0x200  }
0x1fb: {  	[sflag:s15] =	ssyncset.done $0x0  }
0x1fc: {  	[sflag:s15] =	ssyncadd.s32 $0xFFFFFE00  }
0x1fd: {  	_ =	swait.ge [sflag:s15], $0x200  }
0x1fe: {  	[sflag:s15] =	ssyncset.done $0x0  }
0x1ff: {  	[sflag:s15] =	ssyncadd.s32 $0xFFFFFE00  }
0x200: {  	s0 =	simm.s32 $0x0;
	v16 =	vld [tilespmem:$0xCA00]  }
0x201: {  	s30 =	simm.s32 $0x40;
	v17 =	vld [tilespmem:s0+$0xC600]  }
.LBB2_6:
0x202: {  	p0 =	sne.s32 s30, $0x7C0;
	v18 =	vld [tilespmem:s0+$0xC400];
	_ =	sdelay $0x1  }
0x203: {  	v19 =	vld [tilespmem:s0+$0xC800];
	_ =	sdelay $0x2  }
0x204: {  	v17 =	vadd.f32 v17, v18;
	_ =	sdelay $0x1  }
.Ltmp2:
0x205: {  	v17 =	vadd.f32 v19, v17;
	(pc) =	sbr.rel @p0 .LBB2_6-.Ltmp2, $4  }
0x206: {  	_ = 	snop  }
0x207: {  	v18 =	vadd.f32 v17, v16  }
0x208: {  	s3 =	sshra.s32 s30, $0x2  }
0x209: {  	s30 =	sadd.s32 $0x40, s30;
	v17 =	vld [tilespmem:s3+$0xC600];
	[tilespmem:s0+$0xC400] =	vst v18;
	s0 =	smov.u32 s3  }
0x20a: {  	v18 =	vld [tilespmem:s0+$0xC400];
	_ =	sdelay $0x1  }
0x20b: {  	v19 =	vld [tilespmem:s0+$0xC800];
	_ =	sdelay $0x2  }
0x20c: {  	v17 =	vadd.f32 v17, v18;
	_ =	sdelay $0x1  }
0x20d: {  	v17 =	vadd.f32 v19, v17;
	_ =	sdelay $0x1  }
0x20e: {  	s29 =	sadd.s32 $0x1, s29;
	v16 =	vadd.f32 v17, v16  }
0x20f: {  	p0 =	sne.s32 s29, s13  }
.Ltmp3:
0x210: {  	[tilespmem:s0+$0xC400] =	vst v16;
	(pc) =	sbr.rel @p0 .LBB2_1-.Ltmp3, $4  }
0x211: {  	[hbm4b:s12+s6] =	stream.linear.scatter [tilespmem:s26], [sflag:$0x5], $0x200, $0x38;
	[tilespmem:$0xCB80] =	vst v63  }
0x212: {  	_ =	swait.ge [sflag:s28], $0x200  }
0x213: {  	[sflag:s28] =	ssyncset.done $0x0  }
0x214: {  	[sflag:s28] =	ssyncadd.s32 $0xFFFFFE00  }
0x215: {  	_ =	sfence.sel $0x180000  }
0x216: {  	[bflag:$0x0] =	sbarrier.arrive $0xFFFF  }
0x217: {  	_ =	strace $0x90000047  }
0x218: {  	s0 =	stileid.u32;
	[bflag:$0x2] =	sbarrier.arrive $0xFFFF  }
0x219: {  	p0 =	sne.s32 s0, $0x0;
	s0 =	rddreg [dreg:$0x8]  }
0x21a: {  	s0 =	sadd.s32 @!p0 $0x100000, s0  }
0x21b: {  	[sflag:s0] =	ssyncadd.tile.s32 @!p0 $0x1;
	_ =	shalt  }
.Lfunc_end2:
_tile_overlayer_lowered:
.L_overlay_start_2:
0x21c: {  	(tag) =	ssettag $0x2  }
0x21d: {  	s0 =	rddreg [dreg:$0x0];
	s2 =	stileid.u32  }
0x21e: {  	s1 =	rddreg [dreg:$0x1];
	p0 =	sne.s32 s2, $0x0  }
0x21f: {  	s3 =	rddreg [dreg:$0x2];
	[bflag:$0x3] =	sbarrier.arrive $0xFFFF;
	s2 =	simm.s32 @!p0 $0x1C05  }
0x220: {  	[timem:s3], [sflag:s2] =	dma.local @!p0 [hbm:s0], s1  }
0x221: {  	s0 =	simm.s32 @!p0 $0x5  }
0x222: {  	_ =	swait.ge @!p0 [sflag:s0], s1  }
0x223: {  	s1 =	ssub.s32 @!p0 $0x0, s1;
	[sflag:s0] =	ssyncset.done @!p0 $0x0  }
0x224: {  	[sflag:s0] =	ssyncadd.s32 @!p0 s1  }
0x225: {  	[bflag:$0x3] =	sbarrier.arrive $0xFFFF  }
0x226: {  	_ =	shalt  }

</sc_bundles>
